<compile_context>
chip_gen: v7x
topology: tpu7x:2x2x1
jax: 0.10.2.dev20260603
libtpu: 0.0.44.dev20260713+nightly
codegen_flags: <defaults>
</compile_context>

<pallas_src>
import jax
import jax.numpy as jnp
from jax import lax
from jax.experimental import pallas as pl
from jax.experimental.pallas import tpu as pltpu
from jax.experimental.pallas import tpu_sc as plsc

N_VOCAB = 100000
N_EMBED = 128
N_TOKEN = 200
BATCH = 4096

NC = 2
NS = 16
NW = NC * NS
LANES = 16

TOTAL = BATCH * N_TOKEN
B_PER_W = BATCH // NW
CHUNK = B_PER_W
NCHUNK = N_TOKEN
VEC_PER_ROW = N_EMBED // LANES


def _emb_kernel(token_hbm, table_hbm, pos_hbm, out_hbm,
                idx_v, pos_v, obase_v, oidx_v,
                gbuf0, gbuf1, sbuf0, sbuf1,
                gsem0, gsem1, wsem0, wsem1):
    wid = lax.axis_index("s") * NC + lax.axis_index("c")
    out_base = wid * (B_PER_W * N_TOKEN)

    pltpu.sync_copy(token_hbm.at[wid], idx_v)
    pltpu.sync_copy(pos_hbm, pos_v)

    lane = lax.iota(jnp.int32, LANES)
    for c in range(VEC_PER_ROW):
        obase_v[pl.ds(c * LANES, LANES)] = (
            out_base + (c * LANES) * N_TOKEN + lane * N_TOKEN)

    gbufs = (gbuf0, gbuf1)
    sbufs = (sbuf0, sbuf1)
    gsems = (gsem0, gsem1)
    wsems = (wsem0, wsem1)

    for b in range(2):
        pltpu.async_copy(table_hbm.at[idx_v.at[b]], gbufs[b], gsems[b])

    def step(k, _):
        for b in range(2):
            t = 2 * k + b
            pltpu.make_async_copy(table_hbm.at[idx_v.at[0]], gbufs[b],
                                  gsems[b]).wait()

            @pl.when(k >= 1)
            def _wait_store(b=b):
                pltpu.make_async_copy(
                    sbufs[b], out_hbm.at[oidx_v.at[b]], wsems[b]).wait()

            for c in range(VEC_PER_ROW):
                sl = pl.ds(c * LANES, LANES)
                oidx_v[b, sl] = obase_v[sl] + t

            pv = [pos_v[t, pl.ds(c * LANES, LANES)]
                  for c in range(VEC_PER_ROW)]

            def row(j, b=b, pv=pv):
                for c in range(VEC_PER_ROW):
                    sl = pl.ds(c * LANES, LANES)
                    sbufs[b][j, sl] = gbufs[b][j, sl] + pv[c]
            plsc.parallel_loop(0, CHUNK, 1, unroll=4, carry=None)(row)

            pltpu.async_copy(sbufs[b], out_hbm.at[oidx_v.at[b]], wsems[b])

            @pl.when(t + 2 < NCHUNK)
            def _next_gather(b=b, t=t):
                pltpu.async_copy(table_hbm.at[idx_v.at[t + 2]], gbufs[b],
                                 gsems[b])
        return _

    lax.fori_loop(0, NCHUNK // 2, step, None)

    for b in range(2):
        pltpu.make_async_copy(sbufs[b], out_hbm.at[oidx_v.at[b]],
                              wsems[b]).wait()


@jax.jit
def kernel(token, token_embedding_weight, positional_embedding):
    token_t = (token.reshape(NW, B_PER_W, N_TOKEN)
               .transpose(0, 2, 1).astype(jnp.int32))
    run = pl.kernel(
        _emb_kernel,
        out_type=jax.ShapeDtypeStruct((TOTAL, N_EMBED), jnp.float32),
        mesh=plsc.VectorSubcoreMesh(core_axis_name="c", subcore_axis_name="s"),
        scratch_types=(
            [pltpu.VMEM((NCHUNK, CHUNK), jnp.int32),
             pltpu.VMEM((N_TOKEN, N_EMBED), jnp.float32),
             pltpu.VMEM((CHUNK,), jnp.int32),
             pltpu.VMEM((2, CHUNK), jnp.int32)]
            + [pltpu.VMEM((CHUNK, N_EMBED), jnp.float32)
               for _ in range(4)]
            + [pltpu.SemaphoreType.DMA] * 4
        ),
    )
    out = run(token_t, token_embedding_weight, positional_embedding)
    return out.reshape(BATCH, N_TOKEN, N_EMBED)

# --- scband reference (transcript-rebuilt; emitter-appended) ---
"""Pipeline reference for scband-clip-embedding-17265768530467 (READ-ONLY COPY).

The authoritative reference and input builder live on the scoring server;
editing this copy changes nothing except your own understanding.
"""

import jax, jax.numpy as jnp
import numpy as np

N_VOCAB = 100000
N_EMBED = 128
N_TOKEN = 200
BATCH = 4096

def setup_inputs(seed: int = 0) -> dict:
    key = jax.random.key(seed)
    k_tok, k_tab, k_pos = jax.random.split(key, 3)
    token = jax.random.randint(k_tok, (BATCH, N_TOKEN), 0, N_VOCAB, dtype=jnp.int64 if jax.config.read('jax_enable_x64') else jnp.int32)
    token_embedding_weight = jax.random.normal(k_tab, (N_VOCAB, N_EMBED), dtype=jnp.float32) * 0.02
    positional_embedding = jax.random.normal(k_pos, (N_TOKEN, N_EMBED), dtype=jnp.float32) * 0.01
    return {
        'token': token,
        'token_embedding_weight': token_embedding_weight,
        'positional_embedding': positional_embedding,
    }

def reference(token, token_embedding_weight, positional_embedding):
    # token = self.token_embedding(token)
    emb = jnp.take(token_embedding_weight, token, axis=0)  # [B, n_token, n_embed]
    # token = self.positional_embedding + token
    out = positional_embedding[None, :, :] + emb
    return out

if __name__ == "__main__":
    import jax
    _d = setup_inputs()
    print(jax.jit(kernel)(*tuple(_d.values())))

</pallas_src>

<mosaic_0001>
#map = affine_map<(d0, d1) -> (0, 0, 0)>
#map1 = affine_map<(d0, d1) -> (0, 0)>
module attributes {stable_mosaic.version = 14 : i64} {
  func.func @_emb_kernel(%arg0: i32, %arg1: i32, %arg2: memref<32x200x128xi32, #tpu.memory_space<hbm>>, %arg3: memref<100000x128xf32, #tpu.memory_space<hbm>>, %arg4: memref<200x128xf32, #tpu.memory_space<hbm>>, %arg5: memref<819200x128xf32, #tpu.memory_space<hbm>>, %arg6: memref<200x128xi32, #tpu.memory_space<vmem>>, %arg7: memref<200x128xf32, #tpu.memory_space<vmem>>, %arg8: memref<128xi32, #tpu.memory_space<vmem>>, %arg9: memref<2x128xi32, #tpu.memory_space<vmem>>, %arg10: memref<128x128xf32, #tpu.memory_space<vmem>>, %arg11: memref<128x128xf32, #tpu.memory_space<vmem>>, %arg12: memref<128x128xf32, #tpu.memory_space<vmem>>, %arg13: memref<128x128xf32, #tpu.memory_space<vmem>>, %arg14: memref<!tpu.dma_semaphore, #tpu.memory_space<semaphore_mem>>, %arg15: memref<!tpu.dma_semaphore, #tpu.memory_space<semaphore_mem>>, %arg16: memref<!tpu.dma_semaphore, #tpu.memory_space<semaphore_mem>>, %arg17: memref<!tpu.dma_semaphore, #tpu.memory_space<semaphore_mem>>) attributes {dimension_semantics = [#tpu.dimension_semantics<core_parallel>, #tpu.dimension_semantics<subcore_parallel>], iteration_bounds = array<i64: 2, 16>, scalar_prefetch = 0 : i64, scratch_operands = 12 : i64, tpu.core_type = #tpu.core_type<sc_vector_subcore>, window_params = [{transform_indices = #map}, {transform_indices = #map1}, {transform_indices = #map1}, {transform_indices = #map1}]} {
    %mul3A = arith.constant 2 : i32
    %mul3A_0 = arith.muli %arg1, %mul3A : i32
    %add3A = arith.addi %mul3A_0, %arg0 : i32
    %mul3A_1 = arith.constant 25600 : i32
    %mul3A_2 = arith.muli %add3A, %mul3A_1 : i32
    "tpu.region"() ({
      %run_scoped3A = tpu.sem_alloc : memref<!tpu.dma_semaphore, #tpu.memory_space<semaphore_mem>>
      %dma_start3A_120 = arith.constant 0 : i32
      %dma_start3A_121 = arith.constant 0 : i32
      %dma_start3A_122 = tpu.memref_slice %arg2[%add3A, %dma_start3A_120, %dma_start3A_121] : memref<32x200x128xi32, #tpu.memory_space<hbm>> -> memref<1x200x128xi32, #tpu.memory_space<hbm>>
      %dma_start3A_123 = tpu.memref_squeeze %dma_start3A_122 : memref<1x200x128xi32, #tpu.memory_space<hbm>> -> memref<200x128xi32, #tpu.memory_space<hbm>>
      %dma_start3A_124 = arith.constant 0 : i32
      %dma_start3A_125 = arith.constant 0 : i32
      %dma_start3A_126 = tpu.memref_slice %arg2[%add3A, %dma_start3A_124, %dma_start3A_125] : memref<32x200x128xi32, #tpu.memory_space<hbm>> -> memref<1x200x128xi32, #tpu.memory_space<hbm>>
      %dma_start3A_127 = tpu.memref_squeeze %dma_start3A_126 : memref<1x200x128xi32, #tpu.memory_space<hbm>> -> memref<200x128xi32, #tpu.memory_space<hbm>>
      tpu.enqueue_dma source(%dma_start3A_127 : memref<200x128xi32, #tpu.memory_space<hbm>>) target(%arg6 : memref<200x128xi32, #tpu.memory_space<vmem>>) target_semaphore(%run_scoped3A : memref<!tpu.dma_semaphore, #tpu.memory_space<semaphore_mem>>)
      %dma_wait3A_128 = arith.constant 0 : i32
      %dma_wait3A_129 = arith.constant 0 : i32
      %dma_wait3A_130 = tpu.memref_slice %arg2[%add3A, %dma_wait3A_128, %dma_wait3A_129] : memref<32x200x128xi32, #tpu.memory_space<hbm>> -> memref<1x200x128xi32, #tpu.memory_space<hbm>>
      %dma_wait3A_131 = tpu.memref_squeeze %dma_wait3A_130 : memref<1x200x128xi32, #tpu.memory_space<hbm>> -> memref<200x128xi32, #tpu.memory_space<hbm>>
      %dma_wait3A_132 = arith.constant 0 : i32
      %dma_wait3A_133 = arith.constant 0 : i32
      %dma_wait3A_134 = tpu.memref_slice %arg2[%add3A, %dma_wait3A_132, %dma_wait3A_133] : memref<32x200x128xi32, #tpu.memory_space<hbm>> -> memref<1x200x128xi32, #tpu.memory_space<hbm>>
      %dma_wait3A_135 = tpu.memref_squeeze %dma_wait3A_134 : memref<1x200x128xi32, #tpu.memory_space<hbm>> -> memref<200x128xi32, #tpu.memory_space<hbm>>
      tpu.wait_dma2 semaphore(%run_scoped3A : memref<!tpu.dma_semaphore, #tpu.memory_space<semaphore_mem>>) src(%dma_wait3A_135 : memref<200x128xi32, #tpu.memory_space<hbm>>) dst(%arg6 : memref<200x128xi32, #tpu.memory_space<vmem>>)
      tpu.yield
    }) : () -> ()
    "tpu.region"() ({
      %run_scoped3A = tpu.sem_alloc : memref<!tpu.dma_semaphore, #tpu.memory_space<semaphore_mem>>
      tpu.enqueue_dma source(%arg4 : memref<200x128xf32, #tpu.memory_space<hbm>>) target(%arg7 : memref<200x128xf32, #tpu.memory_space<vmem>>) target_semaphore(%run_scoped3A : memref<!tpu.dma_semaphore, #tpu.memory_space<semaphore_mem>>)
      tpu.wait_dma2 semaphore(%run_scoped3A : memref<!tpu.dma_semaphore, #tpu.memory_space<semaphore_mem>>) src(%arg4 : memref<200x128xf32, #tpu.memory_space<hbm>>) dst(%arg7 : memref<200x128xf32, #tpu.memory_space<vmem>>)
      tpu.yield
    }) : () -> ()
    %iota3A = tpu.iota {dimensions = array<i32: 0>} : vector<16xi32>
    %add3A_3 = arith.constant 0 : i32
    %add3A_4 = arith.addi %mul3A_2, %add3A_3 : i32
    %mul3A_5 = arith.constant 200 : i32
    %mul3A_6 = vector.broadcast %mul3A_5 : i32 to vector<16xi32>
    %mul3A_7 = arith.muli %iota3A, %mul3A_6 : vector<16xi32>
    %add3A_8 = vector.broadcast %add3A_4 : i32 to vector<16xi32>
    %add3A_9 = arith.addi %add3A_8, %mul3A_7 : vector<16xi32>
    %swap3A = arith.constant 0 : index
    %swap3A_10 = tpu.vector_load %arg8[%swap3A] {strides = array<i32>} : memref<128xi32, #tpu.memory_space<vmem>>, vector<16xi32>,
    %swap3A_11 = vector.shape_cast %swap3A_10 : vector<16xi32> to vector<16xi32>
    %swap3A_12 = vector.shape_cast %add3A_9 : vector<16xi32> to vector<16xi32>
    tpu.vector_store %arg8[%swap3A], %swap3A_12 {strides = array<i32>} : memref<128xi32, #tpu.memory_space<vmem>>, vector<16xi32>,
    %add3A_13 = arith.constant 3200 : i32
    %add3A_14 = arith.addi %mul3A_2, %add3A_13 : i32
    %mul3A_15 = arith.constant 200 : i32
    %mul3A_16 = vector.broadcast %mul3A_15 : i32 to vector<16xi32>
    %mul3A_17 = arith.muli %iota3A, %mul3A_16 : vector<16xi32>
    %add3A_18 = vector.broadcast %add3A_14 : i32 to vector<16xi32>
    %add3A_19 = arith.addi %add3A_18, %mul3A_17 : vector<16xi32>
    %swap3A_20 = arith.constant 16 : index
    %swap3A_21 = tpu.vector_load %arg8[%swap3A_20] {strides = array<i32>} : memref<128xi32, #tpu.memory_space<vmem>>, vector<16xi32>,
    %swap3A_22 = vector.shape_cast %swap3A_21 : vector<16xi32> to vector<16xi32>
    %swap3A_23 = vector.shape_cast %add3A_19 : vector<16xi32> to vector<16xi32>
    tpu.vector_store %arg8[%swap3A_20], %swap3A_23 {strides = array<i32>} : memref<128xi32, #tpu.memory_space<vmem>>, vector<16xi32>,
    %add3A_24 = arith.constant 6400 : i32
    %add3A_25 = arith.addi %mul3A_2, %add3A_24 : i32
    %mul3A_26 = arith.constant 200 : i32
    %mul3A_27 = vector.broadcast %mul3A_26 : i32 to vector<16xi32>
    %mul3A_28 = arith.muli %iota3A, %mul3A_27 : vector<16xi32>
    %add3A_29 = vector.broadcast %add3A_25 : i32 to vector<16xi32>
    %add3A_30 = arith.addi %add3A_29, %mul3A_28 : vector<16xi32>
    %swap3A_31 = arith.constant 32 : index
    %swap3A_32 = tpu.vector_load %arg8[%swap3A_31] {strides = array<i32>} : memref<128xi32, #tpu.memory_space<vmem>>, vector<16xi32>,
    %swap3A_33 = vector.shape_cast %swap3A_32 : vector<16xi32> to vector<16xi32>
    %swap3A_34 = vector.shape_cast %add3A_30 : vector<16xi32> to vector<16xi32>
    tpu.vector_store %arg8[%swap3A_31], %swap3A_34 {strides = array<i32>} : memref<128xi32, #tpu.memory_space<vmem>>, vector<16xi32>,
    %add3A_35 = arith.constant 9600 : i32
    %add3A_36 = arith.addi %mul3A_2, %add3A_35 : i32
    %mul3A_37 = arith.constant 200 : i32
    %mul3A_38 = vector.broadcast %mul3A_37 : i32 to vector<16xi32>
    %mul3A_39 = arith.muli %iota3A, %mul3A_38 : vector<16xi32>
    %add3A_40 = vector.broadcast %add3A_36 : i32 to vector<16xi32>
    %add3A_41 = arith.addi %add3A_40, %mul3A_39 : vector<16xi32>
    %swap3A_42 = arith.constant 48 : index
    %swap3A_43 = tpu.vector_load %arg8[%swap3A_42] {strides = array<i32>} : memref<128xi32, #tpu.memory_space<vmem>>, vector<16xi32>,
    %swap3A_44 = vector.shape_cast %swap3A_43 : vector<16xi32> to vector<16xi32>
    %swap3A_45 = vector.shape_cast %add3A_41 : vector<16xi32> to vector<16xi32>
    tpu.vector_store %arg8[%swap3A_42], %swap3A_45 {strides = array<i32>} : memref<128xi32, #tpu.memory_space<vmem>>, vector<16xi32>,
    %add3A_46 = arith.constant 12800 : i32
    %add3A_47 = arith.addi %mul3A_2, %add3A_46 : i32
    %mul3A_48 = arith.constant 200 : i32
    %mul3A_49 = vector.broadcast %mul3A_48 : i32 to vector<16xi32>
    %mul3A_50 = arith.muli %iota3A, %mul3A_49 : vector<16xi32>
    %add3A_51 = vector.broadcast %add3A_47 : i32 to vector<16xi32>
    %add3A_52 = arith.addi %add3A_51, %mul3A_50 : vector<16xi32>
    %swap3A_53 = arith.constant 64 : index
    %swap3A_54 = tpu.vector_load %arg8[%swap3A_53] {strides = array<i32>} : memref<128xi32, #tpu.memory_space<vmem>>, vector<16xi32>,
    %swap3A_55 = vector.shape_cast %swap3A_54 : vector<16xi32> to vector<16xi32>
    %swap3A_56 = vector.shape_cast %add3A_52 : vector<16xi32> to vector<16xi32>
    tpu.vector_store %arg8[%swap3A_53], %swap3A_56 {strides = array<i32>} : memref<128xi32, #tpu.memory_space<vmem>>, vector<16xi32>,
    %add3A_57 = arith.constant 16000 : i32
    %add3A_58 = arith.addi %mul3A_2, %add3A_57 : i32
    %mul3A_59 = arith.constant 200 : i32
    %mul3A_60 = vector.broadcast %mul3A_59 : i32 to vector<16xi32>
    %mul3A_61 = arith.muli %iota3A, %mul3A_60 : vector<16xi32>
    %add3A_62 = vector.broadcast %add3A_58 : i32 to vector<16xi32>
    %add3A_63 = arith.addi %add3A_62, %mul3A_61 : vector<16xi32>
    %swap3A_64 = arith.constant 80 : index
    %swap3A_65 = tpu.vector_load %arg8[%swap3A_64] {strides = array<i32>} : memref<128xi32, #tpu.memory_space<vmem>>, vector<16xi32>,
    %swap3A_66 = vector.shape_cast %swap3A_65 : vector<16xi32> to vector<16xi32>
    %swap3A_67 = vector.shape_cast %add3A_63 : vector<16xi32> to vector<16xi32>
    tpu.vector_store %arg8[%swap3A_64], %swap3A_67 {strides = array<i32>} : memref<128xi32, #tpu.memory_space<vmem>>, vector<16xi32>,
    %add3A_68 = arith.constant 19200 : i32
    %add3A_69 = arith.addi %mul3A_2, %add3A_68 : i32
    %mul3A_70 = arith.constant 200 : i32
    %mul3A_71 = vector.broadcast %mul3A_70 : i32 to vector<16xi32>
    %mul3A_72 = arith.muli %iota3A, %mul3A_71 : vector<16xi32>
    %add3A_73 = vector.broadcast %add3A_69 : i32 to vector<16xi32>
    %add3A_74 = arith.addi %add3A_73, %mul3A_72 : vector<16xi32>
    %swap3A_75 = arith.constant 96 : index
    %swap3A_76 = tpu.vector_load %arg8[%swap3A_75] {strides = array<i32>} : memref<128xi32, #tpu.memory_space<vmem>>, vector<16xi32>,
    %swap3A_77 = vector.shape_cast %swap3A_76 : vector<16xi32> to vector<16xi32>
    %swap3A_78 = vector.shape_cast %add3A_74 : vector<16xi32> to vector<16xi32>
    tpu.vector_store %arg8[%swap3A_75], %swap3A_78 {strides = array<i32>} : memref<128xi32, #tpu.memory_space<vmem>>, vector<16xi32>,
    %add3A_79 = arith.constant 22400 : i32
    %add3A_80 = arith.addi %mul3A_2, %add3A_79 : i32
    %mul3A_81 = arith.constant 200 : i32
    %mul3A_82 = vector.broadcast %mul3A_81 : i32 to vector<16xi32>
    %mul3A_83 = arith.muli %iota3A, %mul3A_82 : vector<16xi32>
    %add3A_84 = vector.broadcast %add3A_80 : i32 to vector<16xi32>
    %add3A_85 = arith.addi %add3A_84, %mul3A_83 : vector<16xi32>
    %swap3A_86 = arith.constant 112 : index
    %swap3A_87 = tpu.vector_load %arg8[%swap3A_86] {strides = array<i32>} : memref<128xi32, #tpu.memory_space<vmem>>, vector<16xi32>,
    %swap3A_88 = vector.shape_cast %swap3A_87 : vector<16xi32> to vector<16xi32>
    %swap3A_89 = vector.shape_cast %add3A_85 : vector<16xi32> to vector<16xi32>
    tpu.vector_store %arg8[%swap3A_86], %swap3A_89 {strides = array<i32>} : memref<128xi32, #tpu.memory_space<vmem>>, vector<16xi32>,
    %dma_start3A = arith.constant 0 : i32
    %dma_start3A_90 = arith.constant 0 : i32
    %dma_start3A_91 = tpu.memref_slice %arg6[%dma_start3A, %dma_start3A_90] : memref<200x128xi32, #tpu.memory_space<vmem>> -> memref<1x128xi32, #tpu.memory_space<vmem>>
    %dma_start3A_92 = tpu.memref_squeeze %dma_start3A_91 : memref<1x128xi32, #tpu.memory_space<vmem>> -> memref<128xi32, #tpu.memory_space<vmem>>
    %dma_start3A_93 = arith.constant 0 : i32
    %dma_start3A_94 = arith.constant 0 : i32
    %dma_start3A_95 = tpu.memref_slice %arg3[%dma_start3A_93, %dma_start3A_94] : memref<100000x128xf32, #tpu.memory_space<hbm>> -> memref<100000x128xf32, #tpu.memory_space<hbm>>
    tpu.enqueue_indirect_dma source(%dma_start3A_95 : memref<100000x128xf32, #tpu.memory_space<hbm>>) target(%arg10 : memref<128x128xf32, #tpu.memory_space<vmem>>) offsets(%dma_start3A_92 : memref<128xi32, #tpu.memory_space<vmem>>) semaphore(%arg14 : memref<!tpu.dma_semaphore, #tpu.memory_space<semaphore_mem>>)
    %dma_start3A_96 = arith.constant 1 : i32
    %dma_start3A_97 = arith.constant 0 : i32
    %dma_start3A_98 = tpu.memref_slice %arg6[%dma_start3A_96, %dma_start3A_97] : memref<200x128xi32, #tpu.memory_space<vmem>> -> memref<1x128xi32, #tpu.memory_space<vmem>>
    %dma_start3A_99 = tpu.memref_squeeze %dma_start3A_98 : memref<1x128xi32, #tpu.memory_space<vmem>> -> memref<128xi32, #tpu.memory_space<vmem>>
    %dma_start3A_100 = arith.constant 0 : i32
    %dma_start3A_101 = arith.constant 0 : i32
    %dma_start3A_102 = tpu.memref_slice %arg3[%dma_start3A_100, %dma_start3A_101] : memref<100000x128xf32, #tpu.memory_space<hbm>> -> memref<100000x128xf32, #tpu.memory_space<hbm>>
    tpu.enqueue_indirect_dma source(%dma_start3A_102 : memref<100000x128xf32, #tpu.memory_space<hbm>>) target(%arg11 : memref<128x128xf32, #tpu.memory_space<vmem>>) offsets(%dma_start3A_99 : memref<128xi32, #tpu.memory_space<vmem>>) semaphore(%arg15 : memref<!tpu.dma_semaphore, #tpu.memory_space<semaphore_mem>>)
    %scan3A = arith.constant 0 : i32
    %scan3A_103 = arith.constant 100 : i32
    %scan3A_104 = arith.addi %scan3A, %scan3A_103 : i32
    %scan3A_105 = arith.constant 1 : i32
    scf.for %scan3A_120 = %scan3A to %scan3A_104 step %scan3A_105  : i32 {
      %mul3A_121 = arith.constant 2 : i32
      %mul3A_122 = arith.muli %mul3A_121, %scan3A_120 : i32
      %add3A_123 = arith.constant 0 : i32
      %add3A_124 = arith.addi %mul3A_122, %add3A_123 : i32
      %dma_wait3A_125 = arith.constant 0 : i32
      %dma_wait3A_126 = arith.constant 0 : i32
      %dma_wait3A_127 = tpu.memref_slice %arg6[%dma_wait3A_125, %dma_wait3A_126] : memref<200x128xi32, #tpu.memory_space<vmem>> -> memref<1x128xi32, #tpu.memory_space<vmem>>
      %dma_wait3A_128 = tpu.memref_squeeze %dma_wait3A_127 : memref<1x128xi32, #tpu.memory_space<vmem>> -> memref<128xi32, #tpu.memory_space<vmem>>
      %dma_wait3A_129 = arith.constant 0 : i32
      %dma_wait3A_130 = arith.constant 0 : i32
      %dma_wait3A_131 = tpu.memref_slice %arg3[%dma_wait3A_129, %dma_wait3A_130] : memref<100000x128xf32, #tpu.memory_space<hbm>> -> memref<100000x128xf32, #tpu.memory_space<hbm>>
      tpu.wait_indirect_dma semaphore(%arg14 : memref<!tpu.dma_semaphore, #tpu.memory_space<semaphore_mem>>) src(%dma_wait3A_131 : memref<100000x128xf32, #tpu.memory_space<hbm>>) dst(%arg10 : memref<128x128xf32, #tpu.memory_space<vmem>>)
      %ge3A = arith.constant 1 : i32
      %ge3A_132 = arith.cmpi sge, %scan3A_120, %ge3A : i32
      %convert_element_type3A = arith.extui %ge3A_132 : i1 to i32
      %cond3A = arith.constant 0 : i32
      %cond3A_133 = arith.cmpi ne, %convert_element_type3A, %cond3A : i32
      scf.if %cond3A_133 {
        %dma_wait3A_421 = arith.constant 0 : i32
        %dma_wait3A_422 = arith.constant 0 : i32
        %dma_wait3A_423 = tpu.memref_slice %arg9[%dma_wait3A_421, %dma_wait3A_422] : memref<2x128xi32, #tpu.memory_space<vmem>> -> memref<1x128xi32, #tpu.memory_space<vmem>>
        %dma_wait3A_424 = tpu.memref_squeeze %dma_wait3A_423 : memref<1x128xi32, #tpu.memory_space<vmem>> -> memref<128xi32, #tpu.memory_space<vmem>>
        %dma_wait3A_425 = arith.constant 0 : i32
        %dma_wait3A_426 = arith.constant 0 : i32
        %dma_wait3A_427 = tpu.memref_slice %arg5[%dma_wait3A_425, %dma_wait3A_426] : memref<819200x128xf32, #tpu.memory_space<hbm>> -> memref<819200x128xf32, #tpu.memory_space<hbm>>
        tpu.wait_indirect_dma semaphore(%arg16 : memref<!tpu.dma_semaphore, #tpu.memory_space<semaphore_mem>>) src(%arg12 : memref<128x128xf32, #tpu.memory_space<vmem>>) dst(%dma_wait3A_427 : memref<819200x128xf32, #tpu.memory_space<hbm>>)
      } else {
      }
      %get3A = arith.constant 0 : index
      %get3A_134 = tpu.vector_load %arg8[%get3A] {strides = array<i32>} : memref<128xi32, #tpu.memory_space<vmem>>, vector<16xi32>,
      %get3A_135 = vector.shape_cast %get3A_134 : vector<16xi32> to vector<16xi32>
      %add3A_136 = vector.broadcast %add3A_124 : i32 to vector<16xi32>
      %add3A_137 = arith.addi %get3A_135, %add3A_136 : vector<16xi32>
      %swap3A_138 = arith.constant 0 : i32
      %swap3A_139 = arith.index_cast %swap3A_138 : i32 to index
      %swap3A_140 = arith.constant 0 : index
      %swap3A_141 = tpu.vector_load %arg9[%swap3A_139, %swap3A_140] {strides = array<i32>} : memref<2x128xi32, #tpu.memory_space<vmem>>, vector<1x16xi32>,
      %swap3A_142 = vector.shape_cast %swap3A_141 : vector<1x16xi32> to vector<16xi32>
      %swap3A_143 = vector.shape_cast %add3A_137 : vector<16xi32> to vector<1x16xi32>
      tpu.vector_store %arg9[%swap3A_139, %swap3A_140], %swap3A_143 {strides = array<i32>} : memref<2x128xi32, #tpu.memory_space<vmem>>, vector<1x16xi32>,
      %get3A_144 = arith.constant 16 : index
      %get3A_145 = tpu.vector_load %arg8[%get3A_144] {strides = array<i32>} : memref<128xi32, #tpu.memory_space<vmem>>, vector<16xi32>,
      %get3A_146 = vector.shape_cast %get3A_145 : vector<16xi32> to vector<16xi32>
      %add3A_147 = vector.broadcast %add3A_124 : i32 to vector<16xi32>
      %add3A_148 = arith.addi %get3A_146, %add3A_147 : vector<16xi32>
      %swap3A_149 = arith.constant 0 : i32
      %swap3A_150 = arith.index_cast %swap3A_149 : i32 to index
      %swap3A_151 = arith.constant 16 : index
      %swap3A_152 = tpu.vector_load %arg9[%swap3A_150, %swap3A_151] {strides = array<i32>} : memref<2x128xi32, #tpu.memory_space<vmem>>, vector<1x16xi32>,
      %swap3A_153 = vector.shape_cast %swap3A_152 : vector<1x16xi32> to vector<16xi32>
      %swap3A_154 = vector.shape_cast %add3A_148 : vector<16xi32> to vector<1x16xi32>
      tpu.vector_store %arg9[%swap3A_150, %swap3A_151], %swap3A_154 {strides = array<i32>} : memref<2x128xi32, #tpu.memory_space<vmem>>, vector<1x16xi32>,
      %get3A_155 = arith.constant 32 : index
      %get3A_156 = tpu.vector_load %arg8[%get3A_155] {strides = array<i32>} : memref<128xi32, #tpu.memory_space<vmem>>, vector<16xi32>,
      %get3A_157 = vector.shape_cast %get3A_156 : vector<16xi32> to vector<16xi32>
      %add3A_158 = vector.broadcast %add3A_124 : i32 to vector<16xi32>
      %add3A_159 = arith.addi %get3A_157, %add3A_158 : vector<16xi32>
      %swap3A_160 = arith.constant 0 : i32
      %swap3A_161 = arith.index_cast %swap3A_160 : i32 to index
      %swap3A_162 = arith.constant 32 : index
      %swap3A_163 = tpu.vector_load %arg9[%swap3A_161, %swap3A_162] {strides = array<i32>} : memref<2x128xi32, #tpu.memory_space<vmem>>, vector<1x16xi32>,
      %swap3A_164 = vector.shape_cast %swap3A_163 : vector<1x16xi32> to vector<16xi32>
      %swap3A_165 = vector.shape_cast %add3A_159 : vector<16xi32> to vector<1x16xi32>
      tpu.vector_store %arg9[%swap3A_161, %swap3A_162], %swap3A_165 {strides = array<i32>} : memref<2x128xi32, #tpu.memory_space<vmem>>, vector<1x16xi32>,
      %get3A_166 = arith.constant 48 : index
      %get3A_167 = tpu.vector_load %arg8[%get3A_166] {strides = array<i32>} : memref<128xi32, #tpu.memory_space<vmem>>, vector<16xi32>,
      %get3A_168 = vector.shape_cast %get3A_167 : vector<16xi32> to vector<16xi32>
      %add3A_169 = vector.broadcast %add3A_124 : i32 to vector<16xi32>
      %add3A_170 = arith.addi %get3A_168, %add3A_169 : vector<16xi32>
      %swap3A_171 = arith.constant 0 : i32
      %swap3A_172 = arith.index_cast %swap3A_171 : i32 to index
      %swap3A_173 = arith.constant 48 : index
      %swap3A_174 = tpu.vector_load %arg9[%swap3A_172, %swap3A_173] {strides = array<i32>} : memref<2x128xi32, #tpu.memory_space<vmem>>, vector<1x16xi32>,
      %swap3A_175 = vector.shape_cast %swap3A_174 : vector<1x16xi32> to vector<16xi32>
      %swap3A_176 = vector.shape_cast %add3A_170 : vector<16xi32> to vector<1x16xi32>
      tpu.vector_store %arg9[%swap3A_172, %swap3A_173], %swap3A_176 {strides = array<i32>} : memref<2x128xi32, #tpu.memory_space<vmem>>, vector<1x16xi32>,
      %get3A_177 = arith.constant 64 : index
      %get3A_178 = tpu.vector_load %arg8[%get3A_177] {strides = array<i32>} : memref<128xi32, #tpu.memory_space<vmem>>, vector<16xi32>,
      %get3A_179 = vector.shape_cast %get3A_178 : vector<16xi32> to vector<16xi32>
      %add3A_180 = vector.broadcast %add3A_124 : i32 to vector<16xi32>
      %add3A_181 = arith.addi %get3A_179, %add3A_180 : vector<16xi32>
      %swap3A_182 = arith.constant 0 : i32
      %swap3A_183 = arith.index_cast %swap3A_182 : i32 to index
      %swap3A_184 = arith.constant 64 : index
      %swap3A_185 = tpu.vector_load %arg9[%swap3A_183, %swap3A_184] {strides = array<i32>} : memref<2x128xi32, #tpu.memory_space<vmem>>, vector<1x16xi32>,
      %swap3A_186 = vector.shape_cast %swap3A_185 : vector<1x16xi32> to vector<16xi32>
      %swap3A_187 = vector.shape_cast %add3A_181 : vector<16xi32> to vector<1x16xi32>
      tpu.vector_store %arg9[%swap3A_183, %swap3A_184], %swap3A_187 {strides = array<i32>} : memref<2x128xi32, #tpu.memory_space<vmem>>, vector<1x16xi32>,
      %get3A_188 = arith.constant 80 : index
      %get3A_189 = tpu.vector_load %arg8[%get3A_188] {strides = array<i32>} : memref<128xi32, #tpu.memory_space<vmem>>, vector<16xi32>,
      %get3A_190 = vector.shape_cast %get3A_189 : vector<16xi32> to vector<16xi32>
      %add3A_191 = vector.broadcast %add3A_124 : i32 to vector<16xi32>
      %add3A_192 = arith.addi %get3A_190, %add3A_191 : vector<16xi32>
      %swap3A_193 = arith.constant 0 : i32
      %swap3A_194 = arith.index_cast %swap3A_193 : i32 to index
      %swap3A_195 = arith.constant 80 : index
      %swap3A_196 = tpu.vector_load %arg9[%swap3A_194, %swap3A_195] {strides = array<i32>} : memref<2x128xi32, #tpu.memory_space<vmem>>, vector<1x16xi32>,
      %swap3A_197 = vector.shape_cast %swap3A_196 : vector<1x16xi32> to vector<16xi32>
      %swap3A_198 = vector.shape_cast %add3A_192 : vector<16xi32> to vector<1x16xi32>
      tpu.vector_store %arg9[%swap3A_194, %swap3A_195], %swap3A_198 {strides = array<i32>} : memref<2x128xi32, #tpu.memory_space<vmem>>, vector<1x16xi32>,
      %get3A_199 = arith.constant 96 : index
      %get3A_200 = tpu.vector_load %arg8[%get3A_199] {strides = array<i32>} : memref<128xi32, #tpu.memory_space<vmem>>, vector<16xi32>,
      %get3A_201 = vector.shape_cast %get3A_200 : vector<16xi32> to vector<16xi32>
      %add3A_202 = vector.broadcast %add3A_124 : i32 to vector<16xi32>
      %add3A_203 = arith.addi %get3A_201, %add3A_202 : vector<16xi32>
      %swap3A_204 = arith.constant 0 : i32
      %swap3A_205 = arith.index_cast %swap3A_204 : i32 to index
      %swap3A_206 = arith.constant 96 : index
      %swap3A_207 = tpu.vector_load %arg9[%swap3A_205, %swap3A_206] {strides = array<i32>} : memref<2x128xi32, #tpu.memory_space<vmem>>, vector<1x16xi32>,
      %swap3A_208 = vector.shape_cast %swap3A_207 : vector<1x16xi32> to vector<16xi32>
      %swap3A_209 = vector.shape_cast %add3A_203 : vector<16xi32> to vector<1x16xi32>
      tpu.vector_store %arg9[%swap3A_205, %swap3A_206], %swap3A_209 {strides = array<i32>} : memref<2x128xi32, #tpu.memory_space<vmem>>, vector<1x16xi32>,
      %get3A_210 = arith.constant 112 : index
      %get3A_211 = tpu.vector_load %arg8[%get3A_210] {strides = array<i32>} : memref<128xi32, #tpu.memory_space<vmem>>, vector<16xi32>,
      %get3A_212 = vector.shape_cast %get3A_211 : vector<16xi32> to vector<16xi32>
      %add3A_213 = vector.broadcast %add3A_124 : i32 to vector<16xi32>
      %add3A_214 = arith.addi %get3A_212, %add3A_213 : vector<16xi32>
      %swap3A_215 = arith.constant 0 : i32
      %swap3A_216 = arith.index_cast %swap3A_215 : i32 to index
      %swap3A_217 = arith.constant 112 : index
      %swap3A_218 = tpu.vector_load %arg9[%swap3A_216, %swap3A_217] {strides = array<i32>} : memref<2x128xi32, #tpu.memory_space<vmem>>, vector<1x16xi32>,
      %swap3A_219 = vector.shape_cast %swap3A_218 : vector<1x16xi32> to vector<16xi32>
      %swap3A_220 = vector.shape_cast %add3A_214 : vector<16xi32> to vector<1x16xi32>
      tpu.vector_store %arg9[%swap3A_216, %swap3A_217], %swap3A_220 {strides = array<i32>} : memref<2x128xi32, #tpu.memory_space<vmem>>, vector<1x16xi32>,
      %get3A_221 = arith.index_cast %add3A_124 : i32 to index
      %get3A_222 = arith.constant 0 : index
      %get3A_223 = tpu.vector_load %arg7[%get3A_221, %get3A_222] {strides = array<i32>} : memref<200x128xf32, #tpu.memory_space<vmem>>, vector<1x16xf32>,
      %get3A_224 = vector.shape_cast %get3A_223 : vector<1x16xf32> to vector<16xf32>
      %get3A_225 = arith.index_cast %add3A_124 : i32 to index
      %get3A_226 = arith.constant 16 : index
      %get3A_227 = tpu.vector_load %arg7[%get3A_225, %get3A_226] {strides = array<i32>} : memref<200x128xf32, #tpu.memory_space<vmem>>, vector<1x16xf32>,
      %get3A_228 = vector.shape_cast %get3A_227 : vector<1x16xf32> to vector<16xf32>
      %get3A_229 = arith.index_cast %add3A_124 : i32 to index
      %get3A_230 = arith.constant 32 : index
      %get3A_231 = tpu.vector_load %arg7[%get3A_229, %get3A_230] {strides = array<i32>} : memref<200x128xf32, #tpu.memory_space<vmem>>, vector<1x16xf32>,
      %get3A_232 = vector.shape_cast %get3A_231 : vector<1x16xf32> to vector<16xf32>
      %get3A_233 = arith.index_cast %add3A_124 : i32 to index
      %get3A_234 = arith.constant 48 : index
      %get3A_235 = tpu.vector_load %arg7[%get3A_233, %get3A_234] {strides = array<i32>} : memref<200x128xf32, #tpu.memory_space<vmem>>, vector<1x16xf32>,
      %get3A_236 = vector.shape_cast %get3A_235 : vector<1x16xf32> to vector<16xf32>
      %get3A_237 = arith.index_cast %add3A_124 : i32 to index
      %get3A_238 = arith.constant 64 : index
      %get3A_239 = tpu.vector_load %arg7[%get3A_237, %get3A_238] {strides = array<i32>} : memref<200x128xf32, #tpu.memory_space<vmem>>, vector<1x16xf32>,
      %get3A_240 = vector.shape_cast %get3A_239 : vector<1x16xf32> to vector<16xf32>
      %get3A_241 = arith.index_cast %add3A_124 : i32 to index
      %get3A_242 = arith.constant 80 : index
      %get3A_243 = tpu.vector_load %arg7[%get3A_241, %get3A_242] {strides = array<i32>} : memref<200x128xf32, #tpu.memory_space<vmem>>, vector<1x16xf32>,
      %get3A_244 = vector.shape_cast %get3A_243 : vector<1x16xf32> to vector<16xf32>
      %get3A_245 = arith.index_cast %add3A_124 : i32 to index
      %get3A_246 = arith.constant 96 : index
      %get3A_247 = tpu.vector_load %arg7[%get3A_245, %get3A_246] {strides = array<i32>} : memref<200x128xf32, #tpu.memory_space<vmem>>, vector<1x16xf32>,
      %get3A_248 = vector.shape_cast %get3A_247 : vector<1x16xf32> to vector<16xf32>
      %get3A_249 = arith.index_cast %add3A_124 : i32 to index
      %get3A_250 = arith.constant 112 : index
      %get3A_251 = tpu.vector_load %arg7[%get3A_249, %get3A_250] {strides = array<i32>} : memref<200x128xf32, #tpu.memory_space<vmem>>, vector<1x16xf32>,
      %get3A_252 = vector.shape_cast %get3A_251 : vector<1x16xf32> to vector<16xf32>
      %parallel_loop3A = arith.constant 0 : i32
      %parallel_loop3A_253 = arith.constant 128 : i32
      %parallel_loop3A_254 = arith.constant 1 : i32
      scf.for %parallel_loop3A_421 = %parallel_loop3A to %parallel_loop3A_253 step %parallel_loop3A_254  : i32 {
        %parallel_loop3A_422 = arith.index_cast %parallel_loop3A_421 : i32 to index
        %parallel_loop3A_423 = arith.constant 0 : index
        %parallel_loop3A_424 = tpu.vector_load %arg10[%parallel_loop3A_422, %parallel_loop3A_423] {strides = array<i32>} : memref<128x128xf32, #tpu.memory_space<vmem>>, vector<1x16xf32>,
        %parallel_loop3A_425 = vector.shape_cast %parallel_loop3A_424 : vector<1x16xf32> to vector<16xf32>
        %parallel_loop3A_426 = arith.addf %parallel_loop3A_425, %get3A_224 : vector<16xf32>
        %parallel_loop3A_427 = arith.index_cast %parallel_loop3A_421 : i32 to index
        %parallel_loop3A_428 = arith.constant 0 : index
        %parallel_loop3A_429 = tpu.vector_load %arg12[%parallel_loop3A_427, %parallel_loop3A_428] {strides = array<i32>} : memref<128x128xf32, #tpu.memory_space<vmem>>, vector<1x16xf32>,
        %parallel_loop3A_430 = vector.shape_cast %parallel_loop3A_429 : vector<1x16xf32> to vector<16xf32>
        %parallel_loop3A_431 = vector.shape_cast %parallel_loop3A_426 : vector<16xf32> to vector<1x16xf32>
        tpu.vector_store %arg12[%parallel_loop3A_427, %parallel_loop3A_428], %parallel_loop3A_431 {strides = array<i32>} : memref<128x128xf32, #tpu.memory_space<vmem>>, vector<1x16xf32>,
        %parallel_loop3A_432 = arith.index_cast %parallel_loop3A_421 : i32 to index
        %parallel_loop3A_433 = arith.constant 16 : index
        %parallel_loop3A_434 = tpu.vector_load %arg10[%parallel_loop3A_432, %parallel_loop3A_433] {strides = array<i32>} : memref<128x128xf32, #tpu.memory_space<vmem>>, vector<1x16xf32>,
        %parallel_loop3A_435 = vector.shape_cast %parallel_loop3A_434 : vector<1x16xf32> to vector<16xf32>
        %parallel_loop3A_436 = arith.addf %parallel_loop3A_435, %get3A_228 : vector<16xf32>
        %parallel_loop3A_437 = arith.index_cast %parallel_loop3A_421 : i32 to index
        %parallel_loop3A_438 = arith.constant 16 : index
        %parallel_loop3A_439 = tpu.vector_load %arg12[%parallel_loop3A_437, %parallel_loop3A_438] {strides = array<i32>} : memref<128x128xf32, #tpu.memory_space<vmem>>, vector<1x16xf32>,
        %parallel_loop3A_440 = vector.shape_cast %parallel_loop3A_439 : vector<1x16xf32> to vector<16xf32>
        %parallel_loop3A_441 = vector.shape_cast %parallel_loop3A_436 : vector<16xf32> to vector<1x16xf32>
        tpu.vector_store %arg12[%parallel_loop3A_437, %parallel_loop3A_438], %parallel_loop3A_441 {strides = array<i32>} : memref<128x128xf32, #tpu.memory_space<vmem>>, vector<1x16xf32>,
        %parallel_loop3A_442 = arith.index_cast %parallel_loop3A_421 : i32 to index
        %parallel_loop3A_443 = arith.constant 32 : index
        %parallel_loop3A_444 = tpu.vector_load %arg10[%parallel_loop3A_442, %parallel_loop3A_443] {strides = array<i32>} : memref<128x128xf32, #tpu.memory_space<vmem>>, vector<1x16xf32>,
        %parallel_loop3A_445 = vector.shape_cast %parallel_loop3A_444 : vector<1x16xf32> to vector<16xf32>
        %parallel_loop3A_446 = arith.addf %parallel_loop3A_445, %get3A_232 : vector<16xf32>
        %parallel_loop3A_447 = arith.index_cast %parallel_loop3A_421 : i32 to index
        %parallel_loop3A_448 = arith.constant 32 : index
        %parallel_loop3A_449 = tpu.vector_load %arg12[%parallel_loop3A_447, %parallel_loop3A_448] {strides = array<i32>} : memref<128x128xf32, #tpu.memory_space<vmem>>, vector<1x16xf32>,
        %parallel_loop3A_450 = vector.shape_cast %parallel_loop3A_449 : vector<1x16xf32> to vector<16xf32>
        %parallel_loop3A_451 = vector.shape_cast %parallel_loop3A_446 : vector<16xf32> to vector<1x16xf32>
        tpu.vector_store %arg12[%parallel_loop3A_447, %parallel_loop3A_448], %parallel_loop3A_451 {strides = array<i32>} : memref<128x128xf32, #tpu.memory_space<vmem>>, vector<1x16xf32>,
        %parallel_loop3A_452 = arith.index_cast %parallel_loop3A_421 : i32 to index
        %parallel_loop3A_453 = arith.constant 48 : index
        %parallel_loop3A_454 = tpu.vector_load %arg10[%parallel_loop3A_452, %parallel_loop3A_453] {strides = array<i32>} : memref<128x128xf32, #tpu.memory_space<vmem>>, vector<1x16xf32>,
        %parallel_loop3A_455 = vector.shape_cast %parallel_loop3A_454 : vector<1x16xf32> to vector<16xf32>
        %parallel_loop3A_456 = arith.addf %parallel_loop3A_455, %get3A_236 : vector<16xf32>
        %parallel_loop3A_457 = arith.index_cast %parallel_loop3A_421 : i32 to index
        %parallel_loop3A_458 = arith.constant 48 : index
        %parallel_loop3A_459 = tpu.vector_load %arg12[%parallel_loop3A_457, %parallel_loop3A_458] {strides = array<i32>} : memref<128x128xf32, #tpu.memory_space<vmem>>, vector<1x16xf32>,
        %parallel_loop3A_460 = vector.shape_cast %parallel_loop3A_459 : vector<1x16xf32> to vector<16xf32>
        %parallel_loop3A_461 = vector.shape_cast %parallel_loop3A_456 : vector<16xf32> to vector<1x16xf32>
        tpu.vector_store %arg12[%parallel_loop3A_457, %parallel_loop3A_458], %parallel_loop3A_461 {strides = array<i32>} : memref<128x128xf32, #tpu.memory_space<vmem>>, vector<1x16xf32>,
        %parallel_loop3A_462 = arith.index_cast %parallel_loop3A_421 : i32 to index
        %parallel_loop3A_463 = arith.constant 64 : index
        %parallel_loop3A_464 = tpu.vector_load %arg10[%parallel_loop3A_462, %parallel_loop3A_463] {strides = array<i32>} : memref<128x128xf32, #tpu.memory_space<vmem>>, vector<1x16xf32>,
        %parallel_loop3A_465 = vector.shape_cast %parallel_loop3A_464 : vector<1x16xf32> to vector<16xf32>
        %parallel_loop3A_466 = arith.addf %parallel_loop3A_465, %get3A_240 : vector<16xf32>
        %parallel_loop3A_467 = arith.index_cast %parallel_loop3A_421 : i32 to index
        %parallel_loop3A_468 = arith.constant 64 : index
        %parallel_loop3A_469 = tpu.vector_load %arg12[%parallel_loop3A_467, %parallel_loop3A_468] {strides = array<i32>} : memref<128x128xf32, #tpu.memory_space<vmem>>, vector<1x16xf32>,
        %parallel_loop3A_470 = vector.shape_cast %parallel_loop3A_469 : vector<1x16xf32> to vector<16xf32>
        %parallel_loop3A_471 = vector.shape_cast %parallel_loop3A_466 : vector<16xf32> to vector<1x16xf32>
        tpu.vector_store %arg12[%parallel_loop3A_467, %parallel_loop3A_468], %parallel_loop3A_471 {strides = array<i32>} : memref<128x128xf32, #tpu.memory_space<vmem>>, vector<1x16xf32>,
        %parallel_loop3A_472 = arith.index_cast %parallel_loop3A_421 : i32 to index
        %parallel_loop3A_473 = arith.constant 80 : index
        %parallel_loop3A_474 = tpu.vector_load %arg10[%parallel_loop3A_472, %parallel_loop3A_473] {strides = array<i32>} : memref<128x128xf32, #tpu.memory_space<vmem>>, vector<1x16xf32>,
        %parallel_loop3A_475 = vector.shape_cast %parallel_loop3A_474 : vector<1x16xf32> to vector<16xf32>
        %parallel_loop3A_476 = arith.addf %parallel_loop3A_475, %get3A_244 : vector<16xf32>
        %parallel_loop3A_477 = arith.index_cast %parallel_loop3A_421 : i32 to index
        %parallel_loop3A_478 = arith.constant 80 : index
        %parallel_loop3A_479 = tpu.vector_load %arg12[%parallel_loop3A_477, %parallel_loop3A_478] {strides = array<i32>} : memref<128x128xf32, #tpu.memory_space<vmem>>, vector<1x16xf32>,
        %parallel_loop3A_480 = vector.shape_cast %parallel_loop3A_479 : vector<1x16xf32> to vector<16xf32>
        %parallel_loop3A_481 = vector.shape_cast %parallel_loop3A_476 : vector<16xf32> to vector<1x16xf32>
        tpu.vector_store %arg12[%parallel_loop3A_477, %parallel_loop3A_478], %parallel_loop3A_481 {strides = array<i32>} : memref<128x128xf32, #tpu.memory_space<vmem>>, vector<1x16xf32>,
        %parallel_loop3A_482 = arith.index_cast %parallel_loop3A_421 : i32 to index
        %parallel_loop3A_483 = arith.constant 96 : index
        %parallel_loop3A_484 = tpu.vector_load %arg10[%parallel_loop3A_482, %parallel_loop3A_483] {strides = array<i32>} : memref<128x128xf32, #tpu.memory_space<vmem>>, vector<1x16xf32>,
        %parallel_loop3A_485 = vector.shape_cast %parallel_loop3A_484 : vector<1x16xf32> to vector<16xf32>
        %parallel_loop3A_486 = arith.addf %parallel_loop3A_485, %get3A_248 : vector<16xf32>
        %parallel_loop3A_487 = arith.index_cast %parallel_loop3A_421 : i32 to index
        %parallel_loop3A_488 = arith.constant 96 : index
        %parallel_loop3A_489 = tpu.vector_load %arg12[%parallel_loop3A_487, %parallel_loop3A_488] {strides = array<i32>} : memref<128x128xf32, #tpu.memory_space<vmem>>, vector<1x16xf32>,
        %parallel_loop3A_490 = vector.shape_cast %parallel_loop3A_489 : vector<1x16xf32> to vector<16xf32>
        %parallel_loop3A_491 = vector.shape_cast %parallel_loop3A_486 : vector<16xf32> to vector<1x16xf32>
        tpu.vector_store %arg12[%parallel_loop3A_487, %parallel_loop3A_488], %parallel_loop3A_491 {strides = array<i32>} : memref<128x128xf32, #tpu.memory_space<vmem>>, vector<1x16xf32>,
        %parallel_loop3A_492 = arith.index_cast %parallel_loop3A_421 : i32 to index
        %parallel_loop3A_493 = arith.constant 112 : index
        %parallel_loop3A_494 = tpu.vector_load %arg10[%parallel_loop3A_492, %parallel_loop3A_493] {strides = array<i32>} : memref<128x128xf32, #tpu.memory_space<vmem>>, vector<1x16xf32>,
        %parallel_loop3A_495 = vector.shape_cast %parallel_loop3A_494 : vector<1x16xf32> to vector<16xf32>
        %parallel_loop3A_496 = arith.addf %parallel_loop3A_495, %get3A_252 : vector<16xf32>
        %parallel_loop3A_497 = arith.index_cast %parallel_loop3A_421 : i32 to index
        %parallel_loop3A_498 = arith.constant 112 : index
        %parallel_loop3A_499 = tpu.vector_load %arg12[%parallel_loop3A_497, %parallel_loop3A_498] {strides = array<i32>} : memref<128x128xf32, #tpu.memory_space<vmem>>, vector<1x16xf32>,
        %parallel_loop3A_500 = vector.shape_cast %parallel_loop3A_499 : vector<1x16xf32> to vector<16xf32>
        %parallel_loop3A_501 = vector.shape_cast %parallel_loop3A_496 : vector<16xf32> to vector<1x16xf32>
        tpu.vector_store %arg12[%parallel_loop3A_497, %parallel_loop3A_498], %parallel_loop3A_501 {strides = array<i32>} : memref<128x128xf32, #tpu.memory_space<vmem>>, vector<1x16xf32>,
      } {sc.loop_unroll_factor = 4 : i64, sc.parallel_access}
      %dma_start3A_255 = arith.constant 0 : i32
      %dma_start3A_256 = arith.constant 0 : i32
      %dma_start3A_257 = tpu.memref_slice %arg9[%dma_start3A_255, %dma_start3A_256] : memref<2x128xi32, #tpu.memory_space<vmem>> -> memref<1x128xi32, #tpu.memory_space<vmem>>
      %dma_start3A_258 = tpu.memref_squeeze %dma_start3A_257 : memref<1x128xi32, #tpu.memory_space<vmem>> -> memref<128xi32, #tpu.memory_space<vmem>>
      %dma_start3A_259 = arith.constant 0 : i32
      %dma_start3A_260 = arith.constant 0 : i32
      %dma_start3A_261 = tpu.memref_slice %arg5[%dma_start3A_259, %dma_start3A_260] : memref<819200x128xf32, #tpu.memory_space<hbm>> -> memref<819200x128xf32, #tpu.memory_space<hbm>>
      tpu.enqueue_indirect_dma source(%arg12 : memref<128x128xf32, #tpu.memory_space<vmem>>) target(%dma_start3A_261 : memref<819200x128xf32, #tpu.memory_space<hbm>>) offsets(%dma_start3A_258 : memref<128xi32, #tpu.memory_space<vmem>>) semaphore(%arg16 : memref<!tpu.dma_semaphore, #tpu.memory_space<semaphore_mem>>)
      %add3A_262 = arith.constant 2 : i32
      %add3A_263 = arith.addi %add3A_124, %add3A_262 : i32
      %lt3A = arith.constant 200 : i32
      %lt3A_264 = arith.cmpi slt, %add3A_263, %lt3A : i32
      %convert_element_type3A_265 = arith.extui %lt3A_264 : i1 to i32
      %cond3A_266 = arith.constant 0 : i32
      %cond3A_267 = arith.cmpi ne, %convert_element_type3A_265, %cond3A_266 : i32
      scf.if %cond3A_267 {
        %add3A_421 = arith.constant 2 : i32
        %add3A_422 = arith.addi %add3A_124, %add3A_421 : i32
        %dma_start3A_423 = arith.constant 0 : i32
        %dma_start3A_424 = tpu.memref_slice %arg6[%add3A_422, %dma_start3A_423] : memref<200x128xi32, #tpu.memory_space<vmem>> -> memref<1x128xi32, #tpu.memory_space<vmem>>
        %dma_start3A_425 = tpu.memref_squeeze %dma_start3A_424 : memref<1x128xi32, #tpu.memory_space<vmem>> -> memref<128xi32, #tpu.memory_space<vmem>>
        %dma_start3A_426 = arith.constant 0 : i32
        %dma_start3A_427 = arith.constant 0 : i32
        %dma_start3A_428 = tpu.memref_slice %arg3[%dma_start3A_426, %dma_start3A_427] : memref<100000x128xf32, #tpu.memory_space<hbm>> -> memref<100000x128xf32, #tpu.memory_space<hbm>>
        tpu.enqueue_indirect_dma source(%dma_start3A_428 : memref<100000x128xf32, #tpu.memory_space<hbm>>) target(%arg10 : memref<128x128xf32, #tpu.memory_space<vmem>>) offsets(%dma_start3A_425 : memref<128xi32, #tpu.memory_space<vmem>>) semaphore(%arg14 : memref<!tpu.dma_semaphore, #tpu.memory_space<semaphore_mem>>)
      } else {
      }
      %mul3A_268 = arith.constant 2 : i32
      %mul3A_269 = arith.muli %mul3A_268, %scan3A_120 : i32
      %add3A_270 = arith.constant 1 : i32
      %add3A_271 = arith.addi %mul3A_269, %add3A_270 : i32
      %dma_wait3A_272 = arith.constant 0 : i32
      %dma_wait3A_273 = arith.constant 0 : i32
      %dma_wait3A_274 = tpu.memref_slice %arg6[%dma_wait3A_272, %dma_wait3A_273] : memref<200x128xi32, #tpu.memory_space<vmem>> -> memref<1x128xi32, #tpu.memory_space<vmem>>
      %dma_wait3A_275 = tpu.memref_squeeze %dma_wait3A_274 : memref<1x128xi32, #tpu.memory_space<vmem>> -> memref<128xi32, #tpu.memory_space<vmem>>
      %dma_wait3A_276 = arith.constant 0 : i32
      %dma_wait3A_277 = arith.constant 0 : i32
      %dma_wait3A_278 = tpu.memref_slice %arg3[%dma_wait3A_276, %dma_wait3A_277] : memref<100000x128xf32, #tpu.memory_space<hbm>> -> memref<100000x128xf32, #tpu.memory_space<hbm>>
      tpu.wait_indirect_dma semaphore(%arg15 : memref<!tpu.dma_semaphore, #tpu.memory_space<semaphore_mem>>) src(%dma_wait3A_278 : memref<100000x128xf32, #tpu.memory_space<hbm>>) dst(%arg11 : memref<128x128xf32, #tpu.memory_space<vmem>>)
      %ge3A_279 = arith.constant 1 : i32
      %ge3A_280 = arith.cmpi sge, %scan3A_120, %ge3A_279 : i32
      %convert_element_type3A_281 = arith.extui %ge3A_280 : i1 to i32
      %cond3A_282 = arith.constant 0 : i32
      %cond3A_283 = arith.cmpi ne, %convert_element_type3A_281, %cond3A_282 : i32
      scf.if %cond3A_283 {
        %dma_wait3A_421 = arith.constant 1 : i32
        %dma_wait3A_422 = arith.constant 0 : i32
        %dma_wait3A_423 = tpu.memref_slice %arg9[%dma_wait3A_421, %dma_wait3A_422] : memref<2x128xi32, #tpu.memory_space<vmem>> -> memref<1x128xi32, #tpu.memory_space<vmem>>
        %dma_wait3A_424 = tpu.memref_squeeze %dma_wait3A_423 : memref<1x128xi32, #tpu.memory_space<vmem>> -> memref<128xi32, #tpu.memory_space<vmem>>
        %dma_wait3A_425 = arith.constant 0 : i32
        %dma_wait3A_426 = arith.constant 0 : i32
        %dma_wait3A_427 = tpu.memref_slice %arg5[%dma_wait3A_425, %dma_wait3A_426] : memref<819200x128xf32, #tpu.memory_space<hbm>> -> memref<819200x128xf32, #tpu.memory_space<hbm>>
        tpu.wait_indirect_dma semaphore(%arg17 : memref<!tpu.dma_semaphore, #tpu.memory_space<semaphore_mem>>) src(%arg13 : memref<128x128xf32, #tpu.memory_space<vmem>>) dst(%dma_wait3A_427 : memref<819200x128xf32, #tpu.memory_space<hbm>>)
      } else {
      }
      %get3A_284 = arith.constant 0 : index
      %get3A_285 = tpu.vector_load %arg8[%get3A_284] {strides = array<i32>} : memref<128xi32, #tpu.memory_space<vmem>>, vector<16xi32>,
      %get3A_286 = vector.shape_cast %get3A_285 : vector<16xi32> to vector<16xi32>
      %add3A_287 = vector.broadcast %add3A_271 : i32 to vector<16xi32>
      %add3A_288 = arith.addi %get3A_286, %add3A_287 : vector<16xi32>
      %swap3A_289 = arith.constant 1 : i32
      %swap3A_290 = arith.index_cast %swap3A_289 : i32 to index
      %swap3A_291 = arith.constant 0 : index
      %swap3A_292 = tpu.vector_load %arg9[%swap3A_290, %swap3A_291] {strides = array<i32>} : memref<2x128xi32, #tpu.memory_space<vmem>>, vector<1x16xi32>,
      %swap3A_293 = vector.shape_cast %swap3A_292 : vector<1x16xi32> to vector<16xi32>
      %swap3A_294 = vector.shape_cast %add3A_288 : vector<16xi32> to vector<1x16xi32>
      tpu.vector_store %arg9[%swap3A_290, %swap3A_291], %swap3A_294 {strides = array<i32>} : memref<2x128xi32, #tpu.memory_space<vmem>>, vector<1x16xi32>,
      %get3A_295 = arith.constant 16 : index
      %get3A_296 = tpu.vector_load %arg8[%get3A_295] {strides = array<i32>} : memref<128xi32, #tpu.memory_space<vmem>>, vector<16xi32>,
      %get3A_297 = vector.shape_cast %get3A_296 : vector<16xi32> to vector<16xi32>
      %add3A_298 = vector.broadcast %add3A_271 : i32 to vector<16xi32>
      %add3A_299 = arith.addi %get3A_297, %add3A_298 : vector<16xi32>
      %swap3A_300 = arith.constant 1 : i32
      %swap3A_301 = arith.index_cast %swap3A_300 : i32 to index
      %swap3A_302 = arith.constant 16 : index
      %swap3A_303 = tpu.vector_load %arg9[%swap3A_301, %swap3A_302] {strides = array<i32>} : memref<2x128xi32, #tpu.memory_space<vmem>>, vector<1x16xi32>,
      %swap3A_304 = vector.shape_cast %swap3A_303 : vector<1x16xi32> to vector<16xi32>
      %swap3A_305 = vector.shape_cast %add3A_299 : vector<16xi32> to vector<1x16xi32>
      tpu.vector_store %arg9[%swap3A_301, %swap3A_302], %swap3A_305 {strides = array<i32>} : memref<2x128xi32, #tpu.memory_space<vmem>>, vector<1x16xi32>,
      %get3A_306 = arith.constant 32 : index
      %get3A_307 = tpu.vector_load %arg8[%get3A_306] {strides = array<i32>} : memref<128xi32, #tpu.memory_space<vmem>>, vector<16xi32>,
      %get3A_308 = vector.shape_cast %get3A_307 : vector<16xi32> to vector<16xi32>
      %add3A_309 = vector.broadcast %add3A_271 : i32 to vector<16xi32>
      %add3A_310 = arith.addi %get3A_308, %add3A_309 : vector<16xi32>
      %swap3A_311 = arith.constant 1 : i32
      %swap3A_312 = arith.index_cast %swap3A_311 : i32 to index
      %swap3A_313 = arith.constant 32 : index
      %swap3A_314 = tpu.vector_load %arg9[%swap3A_312, %swap3A_313] {strides = array<i32>} : memref<2x128xi32, #tpu.memory_space<vmem>>, vector<1x16xi32>,
      %swap3A_315 = vector.shape_cast %swap3A_314 : vector<1x16xi32> to vector<16xi32>
      %swap3A_316 = vector.shape_cast %add3A_310 : vector<16xi32> to vector<1x16xi32>
      tpu.vector_store %arg9[%swap3A_312, %swap3A_313], %swap3A_316 {strides = array<i32>} : memref<2x128xi32, #tpu.memory_space<vmem>>, vector<1x16xi32>,
      %get3A_317 = arith.constant 48 : index
      %get3A_318 = tpu.vector_load %arg8[%get3A_317] {strides = array<i32>} : memref<128xi32, #tpu.memory_space<vmem>>, vector<16xi32>,
      %get3A_319 = vector.shape_cast %get3A_318 : vector<16xi32> to vector<16xi32>
      %add3A_320 = vector.broadcast %add3A_271 : i32 to vector<16xi32>
      %add3A_321 = arith.addi %get3A_319, %add3A_320 : vector<16xi32>
      %swap3A_322 = arith.constant 1 : i32
      %swap3A_323 = arith.index_cast %swap3A_322 : i32 to index
      %swap3A_324 = arith.constant 48 : index
      %swap3A_325 = tpu.vector_load %arg9[%swap3A_323, %swap3A_324] {strides = array<i32>} : memref<2x128xi32, #tpu.memory_space<vmem>>, vector<1x16xi32>,
      %swap3A_326 = vector.shape_cast %swap3A_325 : vector<1x16xi32> to vector<16xi32>
      %swap3A_327 = vector.shape_cast %add3A_321 : vector<16xi32> to vector<1x16xi32>
      tpu.vector_store %arg9[%swap3A_323, %swap3A_324], %swap3A_327 {strides = array<i32>} : memref<2x128xi32, #tpu.memory_space<vmem>>, vector<1x16xi32>,
      %get3A_328 = arith.constant 64 : index
      %get3A_329 = tpu.vector_load %arg8[%get3A_328] {strides = array<i32>} : memref<128xi32, #tpu.memory_space<vmem>>, vector<16xi32>,
      %get3A_330 = vector.shape_cast %get3A_329 : vector<16xi32> to vector<16xi32>
      %add3A_331 = vector.broadcast %add3A_271 : i32 to vector<16xi32>
      %add3A_332 = arith.addi %get3A_330, %add3A_331 : vector<16xi32>
      %swap3A_333 = arith.constant 1 : i32
      %swap3A_334 = arith.index_cast %swap3A_333 : i32 to index
      %swap3A_335 = arith.constant 64 : index
      %swap3A_336 = tpu.vector_load %arg9[%swap3A_334, %swap3A_335] {strides = array<i32>} : memref<2x128xi32, #tpu.memory_space<vmem>>, vector<1x16xi32>,
      %swap3A_337 = vector.shape_cast %swap3A_336 : vector<1x16xi32> to vector<16xi32>
      %swap3A_338 = vector.shape_cast %add3A_332 : vector<16xi32> to vector<1x16xi32>
      tpu.vector_store %arg9[%swap3A_334, %swap3A_335], %swap3A_338 {strides = array<i32>} : memref<2x128xi32, #tpu.memory_space<vmem>>, vector<1x16xi32>,
      %get3A_339 = arith.constant 80 : index
      %get3A_340 = tpu.vector_load %arg8[%get3A_339] {strides = array<i32>} : memref<128xi32, #tpu.memory_space<vmem>>, vector<16xi32>,
      %get3A_341 = vector.shape_cast %get3A_340 : vector<16xi32> to vector<16xi32>
      %add3A_342 = vector.broadcast %add3A_271 : i32 to vector<16xi32>
      %add3A_343 = arith.addi %get3A_341, %add3A_342 : vector<16xi32>
      %swap3A_344 = arith.constant 1 : i32
      %swap3A_345 = arith.index_cast %swap3A_344 : i32 to index
      %swap3A_346 = arith.constant 80 : index
      %swap3A_347 = tpu.vector_load %arg9[%swap3A_345, %swap3A_346] {strides = array<i32>} : memref<2x128xi32, #tpu.memory_space<vmem>>, vector<1x16xi32>,
      %swap3A_348 = vector.shape_cast %swap3A_347 : vector<1x16xi32> to vector<16xi32>
      %swap3A_349 = vector.shape_cast %add3A_343 : vector<16xi32> to vector<1x16xi32>
      tpu.vector_store %arg9[%swap3A_345, %swap3A_346], %swap3A_349 {strides = array<i32>} : memref<2x128xi32, #tpu.memory_space<vmem>>, vector<1x16xi32>,
      %get3A_350 = arith.constant 96 : index
      %get3A_351 = tpu.vector_load %arg8[%get3A_350] {strides = array<i32>} : memref<128xi32, #tpu.memory_space<vmem>>, vector<16xi32>,
      %get3A_352 = vector.shape_cast %get3A_351 : vector<16xi32> to vector<16xi32>
      %add3A_353 = vector.broadcast %add3A_271 : i32 to vector<16xi32>
      %add3A_354 = arith.addi %get3A_352, %add3A_353 : vector<16xi32>
      %swap3A_355 = arith.constant 1 : i32
      %swap3A_356 = arith.index_cast %swap3A_355 : i32 to index
      %swap3A_357 = arith.constant 96 : index
      %swap3A_358 = tpu.vector_load %arg9[%swap3A_356, %swap3A_357] {strides = array<i32>} : memref<2x128xi32, #tpu.memory_space<vmem>>, vector<1x16xi32>,
      %swap3A_359 = vector.shape_cast %swap3A_358 : vector<1x16xi32> to vector<16xi32>
      %swap3A_360 = vector.shape_cast %add3A_354 : vector<16xi32> to vector<1x16xi32>
      tpu.vector_store %arg9[%swap3A_356, %swap3A_357], %swap3A_360 {strides = array<i32>} : memref<2x128xi32, #tpu.memory_space<vmem>>, vector<1x16xi32>,
      %get3A_361 = arith.constant 112 : index
      %get3A_362 = tpu.vector_load %arg8[%get3A_361] {strides = array<i32>} : memref<128xi32, #tpu.memory_space<vmem>>, vector<16xi32>,
      %get3A_363 = vector.shape_cast %get3A_362 : vector<16xi32> to vector<16xi32>
      %add3A_364 = vector.broadcast %add3A_271 : i32 to vector<16xi32>
      %add3A_365 = arith.addi %get3A_363, %add3A_364 : vector<16xi32>
      %swap3A_366 = arith.constant 1 : i32
      %swap3A_367 = arith.index_cast %swap3A_366 : i32 to index
      %swap3A_368 = arith.constant 112 : index
      %swap3A_369 = tpu.vector_load %arg9[%swap3A_367, %swap3A_368] {strides = array<i32>} : memref<2x128xi32, #tpu.memory_space<vmem>>, vector<1x16xi32>,
      %swap3A_370 = vector.shape_cast %swap3A_369 : vector<1x16xi32> to vector<16xi32>
      %swap3A_371 = vector.shape_cast %add3A_365 : vector<16xi32> to vector<1x16xi32>
      tpu.vector_store %arg9[%swap3A_367, %swap3A_368], %swap3A_371 {strides = array<i32>} : memref<2x128xi32, #tpu.memory_space<vmem>>, vector<1x16xi32>,
      %get3A_372 = arith.index_cast %add3A_271 : i32 to index
      %get3A_373 = arith.constant 0 : index
      %get3A_374 = tpu.vector_load %arg7[%get3A_372, %get3A_373] {strides = array<i32>} : memref<200x128xf32, #tpu.memory_space<vmem>>, vector<1x16xf32>,
      %get3A_375 = vector.shape_cast %get3A_374 : vector<1x16xf32> to vector<16xf32>
      %get3A_376 = arith.index_cast %add3A_271 : i32 to index
      %get3A_377 = arith.constant 16 : index
      %get3A_378 = tpu.vector_load %arg7[%get3A_376, %get3A_377] {strides = array<i32>} : memref<200x128xf32, #tpu.memory_space<vmem>>, vector<1x16xf32>,
      %get3A_379 = vector.shape_cast %get3A_378 : vector<1x16xf32> to vector<16xf32>
      %get3A_380 = arith.index_cast %add3A_271 : i32 to index
      %get3A_381 = arith.constant 32 : index
      %get3A_382 = tpu.vector_load %arg7[%get3A_380, %get3A_381] {strides = array<i32>} : memref<200x128xf32, #tpu.memory_space<vmem>>, vector<1x16xf32>,
      %get3A_383 = vector.shape_cast %get3A_382 : vector<1x16xf32> to vector<16xf32>
      %get3A_384 = arith.index_cast %add3A_271 : i32 to index
      %get3A_385 = arith.constant 48 : index
      %get3A_386 = tpu.vector_load %arg7[%get3A_384, %get3A_385] {strides = array<i32>} : memref<200x128xf32, #tpu.memory_space<vmem>>, vector<1x16xf32>,
      %get3A_387 = vector.shape_cast %get3A_386 : vector<1x16xf32> to vector<16xf32>
      %get3A_388 = arith.index_cast %add3A_271 : i32 to index
      %get3A_389 = arith.constant 64 : index
      %get3A_390 = tpu.vector_load %arg7[%get3A_388, %get3A_389] {strides = array<i32>} : memref<200x128xf32, #tpu.memory_space<vmem>>, vector<1x16xf32>,
      %get3A_391 = vector.shape_cast %get3A_390 : vector<1x16xf32> to vector<16xf32>
      %get3A_392 = arith.index_cast %add3A_271 : i32 to index
      %get3A_393 = arith.constant 80 : index
      %get3A_394 = tpu.vector_load %arg7[%get3A_392, %get3A_393] {strides = array<i32>} : memref<200x128xf32, #tpu.memory_space<vmem>>, vector<1x16xf32>,
      %get3A_395 = vector.shape_cast %get3A_394 : vector<1x16xf32> to vector<16xf32>
      %get3A_396 = arith.index_cast %add3A_271 : i32 to index
      %get3A_397 = arith.constant 96 : index
      %get3A_398 = tpu.vector_load %arg7[%get3A_396, %get3A_397] {strides = array<i32>} : memref<200x128xf32, #tpu.memory_space<vmem>>, vector<1x16xf32>,
      %get3A_399 = vector.shape_cast %get3A_398 : vector<1x16xf32> to vector<16xf32>
      %get3A_400 = arith.index_cast %add3A_271 : i32 to index
      %get3A_401 = arith.constant 112 : index
      %get3A_402 = tpu.vector_load %arg7[%get3A_400, %get3A_401] {strides = array<i32>} : memref<200x128xf32, #tpu.memory_space<vmem>>, vector<1x16xf32>,
      %get3A_403 = vector.shape_cast %get3A_402 : vector<1x16xf32> to vector<16xf32>
      %parallel_loop3A_404 = arith.constant 0 : i32
      %parallel_loop3A_405 = arith.constant 128 : i32
      %parallel_loop3A_406 = arith.constant 1 : i32
      scf.for %parallel_loop3A_421 = %parallel_loop3A_404 to %parallel_loop3A_405 step %parallel_loop3A_406  : i32 {
        %parallel_loop3A_422 = arith.index_cast %parallel_loop3A_421 : i32 to index
        %parallel_loop3A_423 = arith.constant 0 : index
        %parallel_loop3A_424 = tpu.vector_load %arg11[%parallel_loop3A_422, %parallel_loop3A_423] {strides = array<i32>} : memref<128x128xf32, #tpu.memory_space<vmem>>, vector<1x16xf32>,
        %parallel_loop3A_425 = vector.shape_cast %parallel_loop3A_424 : vector<1x16xf32> to vector<16xf32>
        %parallel_loop3A_426 = arith.addf %parallel_loop3A_425, %get3A_375 : vector<16xf32>
        %parallel_loop3A_427 = arith.index_cast %parallel_loop3A_421 : i32 to index
        %parallel_loop3A_428 = arith.constant 0 : index
        %parallel_loop3A_429 = tpu.vector_load %arg13[%parallel_loop3A_427, %parallel_loop3A_428] {strides = array<i32>} : memref<128x128xf32, #tpu.memory_space<vmem>>, vector<1x16xf32>,
        %parallel_loop3A_430 = vector.shape_cast %parallel_loop3A_429 : vector<1x16xf32> to vector<16xf32>
        %parallel_loop3A_431 = vector.shape_cast %parallel_loop3A_426 : vector<16xf32> to vector<1x16xf32>
        tpu.vector_store %arg13[%parallel_loop3A_427, %parallel_loop3A_428], %parallel_loop3A_431 {strides = array<i32>} : memref<128x128xf32, #tpu.memory_space<vmem>>, vector<1x16xf32>,
        %parallel_loop3A_432 = arith.index_cast %parallel_loop3A_421 : i32 to index
        %parallel_loop3A_433 = arith.constant 16 : index
        %parallel_loop3A_434 = tpu.vector_load %arg11[%parallel_loop3A_432, %parallel_loop3A_433] {strides = array<i32>} : memref<128x128xf32, #tpu.memory_space<vmem>>, vector<1x16xf32>,
        %parallel_loop3A_435 = vector.shape_cast %parallel_loop3A_434 : vector<1x16xf32> to vector<16xf32>
        %parallel_loop3A_436 = arith.addf %parallel_loop3A_435, %get3A_379 : vector<16xf32>
        %parallel_loop3A_437 = arith.index_cast %parallel_loop3A_421 : i32 to index
        %parallel_loop3A_438 = arith.constant 16 : index
        %parallel_loop3A_439 = tpu.vector_load %arg13[%parallel_loop3A_437, %parallel_loop3A_438] {strides = array<i32>} : memref<128x128xf32, #tpu.memory_space<vmem>>, vector<1x16xf32>,
        %parallel_loop3A_440 = vector.shape_cast %parallel_loop3A_439 : vector<1x16xf32> to vector<16xf32>
        %parallel_loop3A_441 = vector.shape_cast %parallel_loop3A_436 : vector<16xf32> to vector<1x16xf32>
        tpu.vector_store %arg13[%parallel_loop3A_437, %parallel_loop3A_438], %parallel_loop3A_441 {strides = array<i32>} : memref<128x128xf32, #tpu.memory_space<vmem>>, vector<1x16xf32>,
        %parallel_loop3A_442 = arith.index_cast %parallel_loop3A_421 : i32 to index
        %parallel_loop3A_443 = arith.constant 32 : index
        %parallel_loop3A_444 = tpu.vector_load %arg11[%parallel_loop3A_442, %parallel_loop3A_443] {strides = array<i32>} : memref<128x128xf32, #tpu.memory_space<vmem>>, vector<1x16xf32>,
        %parallel_loop3A_445 = vector.shape_cast %parallel_loop3A_444 : vector<1x16xf32> to vector<16xf32>
        %parallel_loop3A_446 = arith.addf %parallel_loop3A_445, %get3A_383 : vector<16xf32>
        %parallel_loop3A_447 = arith.index_cast %parallel_loop3A_421 : i32 to index
        %parallel_loop3A_448 = arith.constant 32 : index
        %parallel_loop3A_449 = tpu.vector_load %arg13[%parallel_loop3A_447, %parallel_loop3A_448] {strides = array<i32>} : memref<128x128xf32, #tpu.memory_space<vmem>>, vector<1x16xf32>,
        %parallel_loop3A_450 = vector.shape_cast %parallel_loop3A_449 : vector<1x16xf32> to vector<16xf32>
        %parallel_loop3A_451 = vector.shape_cast %parallel_loop3A_446 : vector<16xf32> to vector<1x16xf32>
        tpu.vector_store %arg13[%parallel_loop3A_447, %parallel_loop3A_448], %parallel_loop3A_451 {strides = array<i32>} : memref<128x128xf32, #tpu.memory_space<vmem>>, vector<1x16xf32>,
        %parallel_loop3A_452 = arith.index_cast %parallel_loop3A_421 : i32 to index
        %parallel_loop3A_453 = arith.constant 48 : index
        %parallel_loop3A_454 = tpu.vector_load %arg11[%parallel_loop3A_452, %parallel_loop3A_453] {strides = array<i32>} : memref<128x128xf32, #tpu.memory_space<vmem>>, vector<1x16xf32>,
        %parallel_loop3A_455 = vector.shape_cast %parallel_loop3A_454 : vector<1x16xf32> to vector<16xf32>
        %parallel_loop3A_456 = arith.addf %parallel_loop3A_455, %get3A_387 : vector<16xf32>
        %parallel_loop3A_457 = arith.index_cast %parallel_loop3A_421 : i32 to index
        %parallel_loop3A_458 = arith.constant 48 : index
        %parallel_loop3A_459 = tpu.vector_load %arg13[%parallel_loop3A_457, %parallel_loop3A_458] {strides = array<i32>} : memref<128x128xf32, #tpu.memory_space<vmem>>, vector<1x16xf32>,
        %parallel_loop3A_460 = vector.shape_cast %parallel_loop3A_459 : vector<1x16xf32> to vector<16xf32>
        %parallel_loop3A_461 = vector.shape_cast %parallel_loop3A_456 : vector<16xf32> to vector<1x16xf32>
        tpu.vector_store %arg13[%parallel_loop3A_457, %parallel_loop3A_458], %parallel_loop3A_461 {strides = array<i32>} : memref<128x128xf32, #tpu.memory_space<vmem>>, vector<1x16xf32>,
        %parallel_loop3A_462 = arith.index_cast %parallel_loop3A_421 : i32 to index
        %parallel_loop3A_463 = arith.constant 64 : index
        %parallel_loop3A_464 = tpu.vector_load %arg11[%parallel_loop3A_462, %parallel_loop3A_463] {strides = array<i32>} : memref<128x128xf32, #tpu.memory_space<vmem>>, vector<1x16xf32>,
        %parallel_loop3A_465 = vector.shape_cast %parallel_loop3A_464 : vector<1x16xf32> to vector<16xf32>
        %parallel_loop3A_466 = arith.addf %parallel_loop3A_465, %get3A_391 : vector<16xf32>
        %parallel_loop3A_467 = arith.index_cast %parallel_loop3A_421 : i32 to index
        %parallel_loop3A_468 = arith.constant 64 : index
        %parallel_loop3A_469 = tpu.vector_load %arg13[%parallel_loop3A_467, %parallel_loop3A_468] {strides = array<i32>} : memref<128x128xf32, #tpu.memory_space<vmem>>, vector<1x16xf32>,
        %parallel_loop3A_470 = vector.shape_cast %parallel_loop3A_469 : vector<1x16xf32> to vector<16xf32>
        %parallel_loop3A_471 = vector.shape_cast %parallel_loop3A_466 : vector<16xf32> to vector<1x16xf32>
        tpu.vector_store %arg13[%parallel_loop3A_467, %parallel_loop3A_468], %parallel_loop3A_471 {strides = array<i32>} : memref<128x128xf32, #tpu.memory_space<vmem>>, vector<1x16xf32>,
        %parallel_loop3A_472 = arith.index_cast %parallel_loop3A_421 : i32 to index
        %parallel_loop3A_473 = arith.constant 80 : index
        %parallel_loop3A_474 = tpu.vector_load %arg11[%parallel_loop3A_472, %parallel_loop3A_473] {strides = array<i32>} : memref<128x128xf32, #tpu.memory_space<vmem>>, vector<1x16xf32>,
        %parallel_loop3A_475 = vector.shape_cast %parallel_loop3A_474 : vector<1x16xf32> to vector<16xf32>
        %parallel_loop3A_476 = arith.addf %parallel_loop3A_475, %get3A_395 : vector<16xf32>
        %parallel_loop3A_477 = arith.index_cast %parallel_loop3A_421 : i32 to index
        %parallel_loop3A_478 = arith.constant 80 : index
        %parallel_loop3A_479 = tpu.vector_load %arg13[%parallel_loop3A_477, %parallel_loop3A_478] {strides = array<i32>} : memref<128x128xf32, #tpu.memory_space<vmem>>, vector<1x16xf32>,
        %parallel_loop3A_480 = vector.shape_cast %parallel_loop3A_479 : vector<1x16xf32> to vector<16xf32>
        %parallel_loop3A_481 = vector.shape_cast %parallel_loop3A_476 : vector<16xf32> to vector<1x16xf32>
        tpu.vector_store %arg13[%parallel_loop3A_477, %parallel_loop3A_478], %parallel_loop3A_481 {strides = array<i32>} : memref<128x128xf32, #tpu.memory_space<vmem>>, vector<1x16xf32>,
        %parallel_loop3A_482 = arith.index_cast %parallel_loop3A_421 : i32 to index
        %parallel_loop3A_483 = arith.constant 96 : index
        %parallel_loop3A_484 = tpu.vector_load %arg11[%parallel_loop3A_482, %parallel_loop3A_483] {strides = array<i32>} : memref<128x128xf32, #tpu.memory_space<vmem>>, vector<1x16xf32>,
        %parallel_loop3A_485 = vector.shape_cast %parallel_loop3A_484 : vector<1x16xf32> to vector<16xf32>
        %parallel_loop3A_486 = arith.addf %parallel_loop3A_485, %get3A_399 : vector<16xf32>
        %parallel_loop3A_487 = arith.index_cast %parallel_loop3A_421 : i32 to index
        %parallel_loop3A_488 = arith.constant 96 : index
        %parallel_loop3A_489 = tpu.vector_load %arg13[%parallel_loop3A_487, %parallel_loop3A_488] {strides = array<i32>} : memref<128x128xf32, #tpu.memory_space<vmem>>, vector<1x16xf32>,
        %parallel_loop3A_490 = vector.shape_cast %parallel_loop3A_489 : vector<1x16xf32> to vector<16xf32>
        %parallel_loop3A_491 = vector.shape_cast %parallel_loop3A_486 : vector<16xf32> to vector<1x16xf32>
        tpu.vector_store %arg13[%parallel_loop3A_487, %parallel_loop3A_488], %parallel_loop3A_491 {strides = array<i32>} : memref<128x128xf32, #tpu.memory_space<vmem>>, vector<1x16xf32>,
        %parallel_loop3A_492 = arith.index_cast %parallel_loop3A_421 : i32 to index
        %parallel_loop3A_493 = arith.constant 112 : index
        %parallel_loop3A_494 = tpu.vector_load %arg11[%parallel_loop3A_492, %parallel_loop3A_493] {strides = array<i32>} : memref<128x128xf32, #tpu.memory_space<vmem>>, vector<1x16xf32>,
        %parallel_loop3A_495 = vector.shape_cast %parallel_loop3A_494 : vector<1x16xf32> to vector<16xf32>
        %parallel_loop3A_496 = arith.addf %parallel_loop3A_495, %get3A_403 : vector<16xf32>
        %parallel_loop3A_497 = arith.index_cast %parallel_loop3A_421 : i32 to index
        %parallel_loop3A_498 = arith.constant 112 : index
        %parallel_loop3A_499 = tpu.vector_load %arg13[%parallel_loop3A_497, %parallel_loop3A_498] {strides = array<i32>} : memref<128x128xf32, #tpu.memory_space<vmem>>, vector<1x16xf32>,
        %parallel_loop3A_500 = vector.shape_cast %parallel_loop3A_499 : vector<1x16xf32> to vector<16xf32>
        %parallel_loop3A_501 = vector.shape_cast %parallel_loop3A_496 : vector<16xf32> to vector<1x16xf32>
        tpu.vector_store %arg13[%parallel_loop3A_497, %parallel_loop3A_498], %parallel_loop3A_501 {strides = array<i32>} : memref<128x128xf32, #tpu.memory_space<vmem>>, vector<1x16xf32>,
      } {sc.loop_unroll_factor = 4 : i64, sc.parallel_access}
      %dma_start3A_407 = arith.constant 1 : i32
      %dma_start3A_408 = arith.constant 0 : i32
      %dma_start3A_409 = tpu.memref_slice %arg9[%dma_start3A_407, %dma_start3A_408] : memref<2x128xi32, #tpu.memory_space<vmem>> -> memref<1x128xi32, #tpu.memory_space<vmem>>
      %dma_start3A_410 = tpu.memref_squeeze %dma_start3A_409 : memref<1x128xi32, #tpu.memory_space<vmem>> -> memref<128xi32, #tpu.memory_space<vmem>>
      %dma_start3A_411 = arith.constant 0 : i32
      %dma_start3A_412 = arith.constant 0 : i32
      %dma_start3A_413 = tpu.memref_slice %arg5[%dma_start3A_411, %dma_start3A_412] : memref<819200x128xf32, #tpu.memory_space<hbm>> -> memref<819200x128xf32, #tpu.memory_space<hbm>>
      tpu.enqueue_indirect_dma source(%arg13 : memref<128x128xf32, #tpu.memory_space<vmem>>) target(%dma_start3A_413 : memref<819200x128xf32, #tpu.memory_space<hbm>>) offsets(%dma_start3A_410 : memref<128xi32, #tpu.memory_space<vmem>>) semaphore(%arg17 : memref<!tpu.dma_semaphore, #tpu.memory_space<semaphore_mem>>)
      %add3A_414 = arith.constant 2 : i32
      %add3A_415 = arith.addi %add3A_271, %add3A_414 : i32
      %lt3A_416 = arith.constant 200 : i32
      %lt3A_417 = arith.cmpi slt, %add3A_415, %lt3A_416 : i32
      %convert_element_type3A_418 = arith.extui %lt3A_417 : i1 to i32
      %cond3A_419 = arith.constant 0 : i32
      %cond3A_420 = arith.cmpi ne, %convert_element_type3A_418, %cond3A_419 : i32
      scf.if %cond3A_420 {
        %add3A_421 = arith.constant 2 : i32
        %add3A_422 = arith.addi %add3A_271, %add3A_421 : i32
        %dma_start3A_423 = arith.constant 0 : i32
        %dma_start3A_424 = tpu.memref_slice %arg6[%add3A_422, %dma_start3A_423] : memref<200x128xi32, #tpu.memory_space<vmem>> -> memref<1x128xi32, #tpu.memory_space<vmem>>
        %dma_start3A_425 = tpu.memref_squeeze %dma_start3A_424 : memref<1x128xi32, #tpu.memory_space<vmem>> -> memref<128xi32, #tpu.memory_space<vmem>>
        %dma_start3A_426 = arith.constant 0 : i32
        %dma_start3A_427 = arith.constant 0 : i32
        %dma_start3A_428 = tpu.memref_slice %arg3[%dma_start3A_426, %dma_start3A_427] : memref<100000x128xf32, #tpu.memory_space<hbm>> -> memref<100000x128xf32, #tpu.memory_space<hbm>>
        tpu.enqueue_indirect_dma source(%dma_start3A_428 : memref<100000x128xf32, #tpu.memory_space<hbm>>) target(%arg11 : memref<128x128xf32, #tpu.memory_space<vmem>>) offsets(%dma_start3A_425 : memref<128xi32, #tpu.memory_space<vmem>>) semaphore(%arg15 : memref<!tpu.dma_semaphore, #tpu.memory_space<semaphore_mem>>)
      } else {
      }
    }
    %scan3A_106 = arith.constant 100 : i32
    %dma_wait3A = arith.constant 0 : i32
    %dma_wait3A_107 = arith.constant 0 : i32
    %dma_wait3A_108 = tpu.memref_slice %arg9[%dma_wait3A, %dma_wait3A_107] : memref<2x128xi32, #tpu.memory_space<vmem>> -> memref<1x128xi32, #tpu.memory_space<vmem>>
    %dma_wait3A_109 = tpu.memref_squeeze %dma_wait3A_108 : memref<1x128xi32, #tpu.memory_space<vmem>> -> memref<128xi32, #tpu.memory_space<vmem>>
    %dma_wait3A_110 = arith.constant 0 : i32
    %dma_wait3A_111 = arith.constant 0 : i32
    %dma_wait3A_112 = tpu.memref_slice %arg5[%dma_wait3A_110, %dma_wait3A_111] : memref<819200x128xf32, #tpu.memory_space<hbm>> -> memref<819200x128xf32, #tpu.memory_space<hbm>>
    tpu.wait_indirect_dma semaphore(%arg16 : memref<!tpu.dma_semaphore, #tpu.memory_space<semaphore_mem>>) src(%arg12 : memref<128x128xf32, #tpu.memory_space<vmem>>) dst(%dma_wait3A_112 : memref<819200x128xf32, #tpu.memory_space<hbm>>)
    %dma_wait3A_113 = arith.constant 1 : i32
    %dma_wait3A_114 = arith.constant 0 : i32
    %dma_wait3A_115 = tpu.memref_slice %arg9[%dma_wait3A_113, %dma_wait3A_114] : memref<2x128xi32, #tpu.memory_space<vmem>> -> memref<1x128xi32, #tpu.memory_space<vmem>>
    %dma_wait3A_116 = tpu.memref_squeeze %dma_wait3A_115 : memref<1x128xi32, #tpu.memory_space<vmem>> -> memref<128xi32, #tpu.memory_space<vmem>>
    %dma_wait3A_117 = arith.constant 0 : i32
    %dma_wait3A_118 = arith.constant 0 : i32
    %dma_wait3A_119 = tpu.memref_slice %arg5[%dma_wait3A_117, %dma_wait3A_118] : memref<819200x128xf32, #tpu.memory_space<hbm>> -> memref<819200x128xf32, #tpu.memory_space<hbm>>
    tpu.wait_indirect_dma semaphore(%arg17 : memref<!tpu.dma_semaphore, #tpu.memory_space<semaphore_mem>>) src(%arg13 : memref<128x128xf32, #tpu.memory_space<vmem>>) dst(%dma_wait3A_119 : memref<819200x128xf32, #tpu.memory_space<hbm>>)
    return
  }
}

</mosaic_0001>

<sc_bundles>
// kernel: kernel.3.cloned.1.call-start
scs
__scs_entry_jumppad:
0x0: {  	(pc) =	sbr.rel $0x88, $3  }
0x1: {  	(tag) =	ssettag $0x0;
	lr =	simm.s32 $0x1  }
0x2: {  	[smem:$0x3F9E] =	sst lr;
	_ =	strace $0xD0000000  }
0x3: {  	_ = 	snop  }
0x4: {  	_ = 	snop  }
0x5: {  	_ = 	snop  }
0x6: {  	_ = 	snop  }
0x7: {  	_ = 	snop  }
__scs_overlays_trampoline_lowered:
0x8: {  	[smem:$0x3FAD] =	sst s0  }
0x9: {  	[smem:$0x3FAE] =	sst s1  }
0xa: {  	[smem:$0x3FAF] =	sst s2  }
0xb: {  	[smem:$0x3FB0] =	sst s3  }
0xc: {  	[smem:$0x3FB1] =	sst s4  }
0xd: {  	[smem:$0x3FB2] =	sst s5  }
0xe: {  	[smem:$0x3FB3] =	sst s6  }
0xf: {  	[smem:$0x3FB4] =	sst s7  }
0x10: {  	[smem:$0x3FB5] =	sst s8  }
0x11: {  	[smem:$0x3FB6] =	sst s9;
	s0 =	simm.s32 @!p0 $0x0  }
0x12: {  	s1 =	sld [smem:$0x3F9C];
	s0 =	simm.s32 @p0 $0x1  }
0x13: {  	[smem:$0x3FB7] =	sst s0;
	s0 =	simm.s32 @!p1 $0x0  }
0x14: {  	s2 =	sld [smem:$0x3F9B];
	s0 =	simm.s32 @p1 $0x1  }
0x15: {  	[smem:$0x3FB8] =	sst s0;
	s0 =	simm.s32 @!p2 $0x0  }
0x16: {  	s3 =	sld [smem:$0x3FDB];
	s0 =	simm.s32 @p2 $0x1  }
0x17: {  	s4 =	simm.s32 $0x1BF5;
	[smem:$0x3FBA] =	sst s0  }
0x18: {  	s0 =	sld [smem:$0x3F9D];
	_ =	swait.ge [sflag:s4], $0x0  }
0x19: {  	s7 =	sld [smem:$0x3F9E]  }
0x1a: {  	s8 =	sadd.s32 $0xFFFFE003, lr  }
0x1b: {  	s9 =	sadd.s32 $0xFFFFFEF7, lr;
	s5 =	simm.s32 $0xFFFFFFFF;
	p2 =	slt.u32 s8, $0xFFFFF086  }
0x1c: {  	p1 =	slt.u32 s9, $0xF7A;
	s5 =	simm.s32 @!p2 $0x0  }
0x1d: {  	s5 =	simm.s32 @p1 $0x1;
	p0 =	seq.s32 s7, s2  }
0x1e: {  	s7 =	smul.u32 @!p0 $0xF7A, s2;
	p2 =	seq.s32 @!p0 s5, $0x0  }
0x1f: {  	s9 =	smul.u32 $0xF7A, s1;
	s8 =	simm.s32 @!p0 $0x1BF5;
	p2 =	por !p2, p0  }
0x20: {  	[sflag:s8] =	ssyncset.s32 @!p0 $0xFFFFF086;
	s6 =	sadd.s32 @!p0 s3, s7;
	s7 =	simm.s32 @!p0 $0x108  }
0x21: {  	s3 =	sadd.s32 s3, s9;
	s6 =	sadd.s32 @!p0 $0x88, s6;
	s7 =	simm.s32 @p2 $0x1082  }
0x22: {  	[simem:s7], [sflag:s8] =	dma.local @!p0 [hbm:s6], $0xF7A  }
0x23: {  	s9 =	sor.u32 $0xD0000000, s2;
	s6 =	simm.s32 $0x108;
	_ =	swait.ge @!p0 [sflag:s8], $0x0  }
0x24: {  	s3 =	sadd.s32 $0x88, s3;
	s6 =	simm.s32 @!p1 $0x1082;
	[sflag:s4] =	ssyncset.s32 $0xFFFFF086  }
0x25: {  	[simem:s6], [sflag:s4] =	dma.local [hbm:s3], $0xF7A  }
0x26: {  	[smem:$0x3F9E] =	sst s1;
	(tag) =	ssettag s2;
	_ =	strace s9  }
0x27: {  	s1 =	sld [smem:$0x3FAE]  }
0x28: {  	s2 =	sld [smem:$0x3FAF]  }
0x29: {  	s4 =	sld [smem:$0x3FB1]  }
0x2a: {  	p0 =	seq.s32 s5, $0x0;
	s5 =	sld [smem:$0x3FB2]  }
0x2b: {  	s6 =	sld [smem:$0x3FB3]  }
0x2c: {  	s7 =	sld [smem:$0x3FB4]  }
0x2d: {  	s3 =	simm.s32 $0x108;
	s8 =	sld [smem:$0x3FB5]  }
0x2e: {  	s3 =	simm.s32 @!p0 $0x1082;
	s9 =	sld [smem:$0x3FB6]  }
0x2f: {  	lr =	sadd.s32 s0, s3;
	s0 =	sld [smem:$0x3FAD]  }
0x30: {  	s3 =	sld [smem:$0x3FB0]  }
0x31: {  	[smem:$0x3FB9] =	sst s10  }
0x32: {  	s10 =	sld [smem:$0x3FB7];
	_ =	sdelay $0x3  }
0x33: {  	p0 =	seq.s32 s10, $0x1;
	s10 =	sld [smem:$0x3FB9];
	_ =	sdelay $0x3  }
0x34: {  	[smem:$0x3FB9] =	sst s10  }
0x35: {  	s10 =	sld [smem:$0x3FB8];
	_ =	sdelay $0x3  }
0x36: {  	p1 =	seq.s32 s10, $0x1;
	s10 =	sld [smem:$0x3FB9];
	_ =	sdelay $0x3  }
0x37: {  	[smem:$0x3FB9] =	sst s10  }
0x38: {  	s10 =	sld [smem:$0x3FBA]  }
0x39: {  	_ = 	snop;
	(pc) =	sbr.ind lr, $3  }
0x3a: {  	_ = 	snop  }
0x3b: {  	_ = 	snop  }
0x3c: {  	p2 =	seq.s32 s10, $0x1;
	s10 =	sld [smem:$0x3FB9]  }
0x3d: {  	_ =	shalt  }
0x3e: {  	_ =	shalt  }
0x3f: {  	_ =	shalt  }
0x40: {  	_ =	shalt  }
0x41: {  	_ =	shalt  }
0x42: {  	_ =	shalt  }
0x43: {  	_ =	shalt  }
0x44: {  	_ =	shalt  }
0x45: {  	_ =	shalt  }
0x46: {  	_ =	shalt  }
0x47: {  	_ =	shalt  }
0x48: {  	_ =	shalt  }
0x49: {  	_ =	shalt  }
0x4a: {  	_ =	shalt  }
0x4b: {  	_ =	shalt  }
0x4c: {  	_ =	shalt  }
0x4d: {  	_ =	shalt  }
0x4e: {  	_ =	shalt  }
0x4f: {  	_ =	shalt  }
0x50: {  	_ =	shalt  }
0x51: {  	_ =	shalt  }
0x52: {  	_ =	shalt  }
0x53: {  	_ =	shalt  }
0x54: {  	_ =	shalt  }
0x55: {  	_ =	shalt  }
0x56: {  	_ =	shalt  }
0x57: {  	_ =	shalt  }
0x58: {  	_ =	shalt  }
0x59: {  	_ =	shalt  }
0x5a: {  	_ =	shalt  }
0x5b: {  	_ =	shalt  }
0x5c: {  	_ =	shalt  }
0x5d: {  	_ =	shalt  }
0x5e: {  	_ =	shalt  }
0x5f: {  	_ =	shalt  }
0x60: {  	_ =	shalt  }
0x61: {  	_ =	shalt  }
0x62: {  	_ =	shalt  }
0x63: {  	_ =	shalt  }
0x64: {  	_ =	shalt  }
0x65: {  	_ =	shalt  }
0x66: {  	_ =	shalt  }
0x67: {  	_ =	shalt  }
0x68: {  	_ =	shalt  }
0x69: {  	_ =	shalt  }
0x6a: {  	_ =	shalt  }
0x6b: {  	_ =	shalt  }
0x6c: {  	_ =	shalt  }
0x6d: {  	_ =	shalt  }
0x6e: {  	_ =	shalt  }
0x6f: {  	_ =	shalt  }
0x70: {  	_ =	shalt  }
0x71: {  	_ =	shalt  }
0x72: {  	_ =	shalt  }
0x73: {  	_ =	shalt  }
0x74: {  	_ =	shalt  }
0x75: {  	_ =	shalt  }
0x76: {  	_ =	shalt  }
0x77: {  	_ =	shalt  }
0x78: {  	_ =	shalt  }
0x79: {  	_ =	shalt  }
0x7a: {  	_ =	shalt  }
0x7b: {  	_ =	shalt  }
0x7c: {  	_ =	shalt  }
0x7d: {  	_ =	shalt  }
0x7e: {  	_ =	shalt  }
0x7f: {  	_ =	shalt  }
0x80: {  	_ =	shalt  }
0x81: {  	_ =	shalt  }
0x82: {  	_ =	shalt  }
0x83: {  	_ =	shalt  }
0x84: {  	_ =	shalt  }
0x85: {  	_ =	shalt  }
0x86: {  	_ =	shalt  }
0x87: {  	_ =	shalt  }
.Lfunc_end0:
.L_simem_size_0:
called_computation_lowered:
.L_overlay_start_0:
0x88: {  	s2 =	sld [smem:$0x3FD9]  }
0x89: {  	s3 =	sld [smem:$0x3FFE];
	_ =	sdelay $0x1  }
0x8a: {  	s1 =	srdreg.scid  }
0x8b: {  	s0 =	sand.u32 $0x1, s1  }
0x8c: {  	s17 =	sshll.u32 s0, $0xA;
	s2 =	sadd.s32 s3, s2  }
0x8d: {  	s2 =	sadd.s32 s2, s17  }
0x8e: {  	[smem:$0x3FC5] =	sst s2  }
0x8f: {  	_ = 	snop  }
0x90: {  	s2 =	sld [smem:$0x3FC8]  }
0x91: {  	s18 =	sld [smem:$0x3FC7]  }
0x92: {  	s4 =	sld [smem:$0x3FD0];
	(tm) =	ssettm $0x1  }
0x93: {  	s5 =	sld [smem:$0x3FFB];
	_ =	sdelay $0x3  }
0x94: {  	_ =	strace s5  }
0x95: {  	s5 =	sld [smem:$0x3FFC];
	_ =	sdelay $0x3  }
0x96: {  	_ =	strace s5  }
0x97: {  	s5 =	sld [smem:$0x3FFD];
	_ =	sdelay $0x3  }
0x98: {  	_ =	strace s5  }
0x99: {  	_ =	strace $0x8FFFFFFF  }
0x9a: {  	s19 =	sld [smem:$0x3FDB];
	_ =	sdelay $0x1  }
0x9b: {  	s6 =	simm.s32 $_scs_section_size  }
0x9c: {  	s7 =	simm.s32 $_size__tile_overlayer_lowered;
	s8 =	simm.s32 $_tile_overlayer_lowered  }
0x9d: {  	s22 =	simm.s32 $0x1BFF;
	s21 =	sshll.u32 s8, $0x1;
	s5 =	sadd.s32 s6, s19  }
0x9e: {  	s9 =	simm.s32 $0x0;
	s20 =	sshll.u32 s7, $0x1;
	s7 =	sadd.s32 s21, s5  }
0x9f: {  	[timem:s9], [sflag:s22] =	dma.local [hbm:s7], s20  }
0xa0: {  	_ =	swait.ge [sflag:s22], s20  }
0xa1: {  	s6 =	ssub.s32 $0x0, s20;
	[sflag:s22] =	ssyncset.done $0x0  }
0xa2: {  	[sflag:s22] =	ssyncadd.s32 s6;
	_ =	sdelay $0x1  }
0xa3: {  	s23 =	simm.s32 $0x1B8B  }
0xa4: {  	_ =	swait.ge [sflag:s23], $0x1  }
0xa5: {  	[sflag:s23] =	ssyncset.done $0x0  }
0xa6: {  	s25 =	simm.s32 $0x1B8E;
	s24 =	sld [smem:$0x3FFE];
	[sflag:s23] =	ssyncadd.s32 $0xFFFFFFFF  }
0xa7: {  	s26 =	simm.s32 $execute0_lowered;
	[smem:$0x3FD2] =	sst s25  }
0xa8: {  	s7 =	sshll.u32 s26, $0x1;
	_ =	strace $0x80000046;
	[dreg:$0x1] =	wrdreg $0xFFFFFFFF  }
0xa9: {  	s28 =	simm.s32 $_size_execute0_lowered;
	s5 =	sadd.s32 s5, s7;
	[dreg:$0x0] =	wrdreg $0x0  }
0xaa: {  	s7 =	sshll.u32 s28, $0x1;
	[dreg:$0x2] =	wrdreg s5  }
0xab: {  	[dreg:$0x3] =	wrdreg s7  }
0xac: {  	[dreg:$0x4] =	wrdreg $0xC0  }
0xad: {  	_ =	task [dreg:s9], $0x5FFFF  }
0xae: {  	[dreg:$0x1] =	wrdreg $0xFFFFFFFF  }
0xaf: {  	[dreg:$0x0] =	wrdreg $0x60  }
0xb0: {  	[dreg:$0x2] =	wrdreg s24  }
0xb1: {  	[dreg:$0x3] =	wrdreg s2  }
0xb2: {  	[dreg:$0x4] =	wrdreg s18  }
0xb3: {  	[dreg:$0x5] =	wrdreg s4  }
0xb4: {  	[dreg:$0x6] =	wrdreg $0x9  }
0xb5: {  	_ =	task.clear_ibuf [dreg:s9], $0x7FFFF;
	_ =	strace $0x90000046  }
0xb6: {  	s29 =	simm.s32 $0x9;
	_ =	strace $0x80000048  }
0xb7: {  	_ =	swait.ge [sflag:s29], $0x1  }
0xb8: {  	[sflag:s29] =	ssyncadd.s32 $0xFFFFFFFF  }
0xb9: {  	_ =	strace $0x90000048  }
0xba: {  	_ =	sfence  }
0xbb: {  	s30 =	sld [smem:$0x0];
	_ =	sdelay $0x2  }
0xbc: {  	s31 =	sshll.u32 s1, $0xD;
	s1 =	sshrl.u32 s1, $0x2  }
0xbd: {  	s3 =	sand.u32 $0x4000, s31;
	s1 =	sadd.s32 s1, s30  }
0xbe: {  	s0 =	sor.u32 s3, s0;
	s1 =	sshll.u32 s1, $0x11  }
0xbf: {  	s0 =	sor.u32 s1, s0  }
0xc0: {  	s0 =	sadd.s32 $0x8F2B, s0  }
0xc1: {  	[sflag:s0] =	ssyncadd.remote.s32 $0x1  }
0xc2: {  	_ =	sfence.sel $0xFFFF  }
0xc3: {  	[dreg:$0x0] =	wrdreg $0xFFFFFFFF;
	(pc) =	sbr.abs _section_cstart, $3  }
0xc4: {  	[dreg:$0x1] =	wrdreg $0xFFFFFFFF  }
0xc5: {  	_ =	task.clear_ibuf [dreg:s9], $0x2FFFF;
	_ =	strace $0x9FFFFFFF  }
0xc6: {  	(tm) =	ssettm $0x7FFFFFFF  }
0xc7: {  	_ =	shalt  }
tec
execute0_lowered:
.L_overlay_start_1:
0x0: {  	(tag) =	ssettag $0x1  }
0x1: {  	s2 =	rddreg [dreg:$0x0];
	s3 =	srdreg.scid  }
0x2: {  	s0 =	stileid.u32;
	s1 =	rddreg [dreg:$0x1]  }
0x3: {  	s8 =	simm.s32 $0x5;
	s9 =	simm.s32 $0x6400;
	s10 =	simm.s32 $0x80  }
0x4: {  	s11 =	simm.s32 $0xC980;
	s12 =	simm.s32 $0x10980;
	s14 =	simm.s32 $0xC880  }
0x5: {  	s6 =	sand.u32 $0x1, s3;
	s4 =	sshll.u32 s0, $0x1;
	s3 =	rddreg [dreg:$0x2]  }
0x6: {  	s15 =	simm.s32 $0x14980;
	s5 =	sor.u32 s6, s4;
	s4 =	rddreg [dreg:$0x3]  }
0x7: {  	s6 =	ssub.s32 $0x2, s6;
	s13 =	smul.u32 $0x6400, s5;
	s5 =	simm.s32 $0x0  }
0x8: {  	s31 =	simm.s32 $0xCA80;
	s29 =	sshrl.u32 s6, $0x1;
	[smem:$0x7FF] =	sst s5  }
0x9: {  	v0 =	vlaneseq.u32;
	s7 =	sshrl.u32 s13, $0x3;
	_ =	strace $0x80000047;
	s30 =	sadd.s32 $0xC80, s13  }
0xa: {  	v7 =	vmul.u32 $0xC8, v0;
	s16 =	sadd.s32 $0x1900, s13;
	s17 =	sadd.s32 $0x2580, s13;
	s18 =	sadd.s32 $0x3200, s13  }
.Ltmp0:
0xb: {  	s19 =	sadd.s32 $0x3E80, s13;
	s20 =	sadd.s32 $0x4B00, s13;
	(pc) =	sbr.rel .LBB2_1-.Ltmp0, $4  }
0xc: {  	s21 =	sadd.s32 $0x5780, s13;
	v0 =	vadd.s32 s13, v7;
	s13 =	simm.s32 $0x1;
	s2 =	sadd.s32 s7, s2  }
0xd: {  	s7 =	ssub.s32 s6, s29;
	v2 =	vadd.s32 s16, v7;
	v3 =	vadd.s32 s17, v7;
	s16 =	simm.s32 $0x2;
	s17 =	simm.s32 $0xC900  }
0xe: {  	v4 =	vadd.s32 s18, v7;
	s18 =	simm.s32 $0x18980;
	v5 =	vadd.s32 s19, v7;
	v6 =	vadd.s32 s20, v7;
	s19 =	simm.s32 $0x3;
	s20 =	simm.s32 $0x4  }
0xf: {  	v1 =	vadd.s32 s30, v7;
	v7 =	vadd.s32 s21, v7;
	s21 =	simm.s32 $0x0;
	s6 =	sadd.s32 $0x600, s2;
	s7 =	smax.u32 s7, $0x1  }
.LBB2_8:
0x10: {  	s21 =	sadd.s32 $0x1, s21  }
0x11: {  	_ =	swait.ge [sflag:s19], $0x4000;
	p0 =	sne.s32 s21, s7  }
.Ltmp1:
0x12: {  	[sflag:s19] =	ssyncset.done $0x0;
	(pc) =	sbr.rel @!p0 .LBB2_9-.Ltmp1, $4  }
0x13: {  	[sflag:s19] =	ssyncadd.s32 $0xFFFFC000  }
0x14: {  	_ =	swait.ge [sflag:s20], $0x4000  }
0x15: {  	[sflag:s20] =	ssyncset.done $0x0  }
0x16: {  	[sflag:s20] =	ssyncadd.s32 $0xFFFFC000  }
.LBB2_1:
0x17: {  	[tilespmem:s5], [sflag:$0x5] =	stream.linear.gather [hbm4b:s6+s5], $0x6400, $0x38;
	[tilespmem:$0x1C980] =	vst v63  }
0x18: {  	_ =	swait.ge [sflag:s8], $0x6400  }
0x19: {  	[sflag:s8] =	ssyncset.done $0x0  }
0x1a: {  	[sflag:s8] =	ssyncadd.s32 $0xFFFF9C00  }
0x1b: {  	[tilespmem:s9], [sflag:$0x5] =	stream.linear.gather [hbm4b:s3+s5], $0x6400, $0x38;
	[tilespmem:$0x1C980] =	vst v63  }
0x1c: {  	_ =	swait.ge [sflag:s8], $0x6400  }
0x1d: {  	[sflag:s8] =	ssyncset.done $0x0  }
0x1e: {  	[sflag:s8] =	ssyncadd.s32 $0xFFFF9C00  }
0x1f: {  	[tilespmem:$0xC800] =	vst v0  }
0x20: {  	[tilespmem:$0xC810] =	vst v1  }
0x21: {  	[tilespmem:$0xC820] =	vst v2  }
0x22: {  	[tilespmem:$0xC830] =	vst v3  }
0x23: {  	[tilespmem:$0xC840] =	vst v4  }
0x24: {  	[tilespmem:$0xC850] =	vst v5  }
0x25: {  	[tilespmem:$0xC860] =	vst v6  }
0x26: {  	[tilespmem:$0xC870] =	vst v7  }
0x27: {  	[tilespmem:s11], [sflag:$0x1] =	stream.indirect.gather [hbm4b:s1+s10], $0x80, s5, s10, $0xb8;
	[tilespmem:$0x1C980] =	vst v63  }
0x28: {  	s22 =	simm.s32 $0x0  }
0x29: {  	[tilespmem:s12], [sflag:$0x2] =	stream.indirect.gather [hbm4b:s1+s10], $0x80, s10, s10, $0xb8;
	[tilespmem:$0x1C980] =	vst v63  }
.LBB2_2:
0x2a: {  	_ =	swait.ge [sflag:s13], $0x4000  }
0x2b: {  	p0 =	seq.s32 s22, $0x0;
	[sflag:s13] =	ssyncset.done $0x0  }
0x2c: {  	s2 =	simm.s32 @!p0 $0x3;
	[sflag:s13] =	ssyncadd.s32 $0xFFFFC000  }
0x2d: {  	_ =	swait.ge @!p0 [sflag:s2], $0x4000  }
0x2e: {  	[sflag:s2] =	ssyncset.done @!p0 $0x0  }
0x2f: {  	[sflag:s2] =	ssyncadd.s32 @!p0 $0xFFFFC000  }
0x30: {  	v8 =	vld [tilespmem:$0xC800]  }
0x31: {  	v9 =	vld [tilespmem:$0xC810]  }
0x32: {  	v10 =	vld [tilespmem:$0xC820]  }
0x33: {  	v11 =	vld [tilespmem:$0xC830]  }
0x34: {  	s24 =	sshll.u32 s22, $0x1;
	v12 =	vld [tilespmem:$0xC840]  }
0x35: {  	v13 =	vld [tilespmem:$0xC850];
	v8 =	vadd.s32 s24, v8  }
0x36: {  	[tilespmem:$0xC880] =	vst v8;
	v8 =	vadd.s32 s24, v9;
	v9 =	vld [tilespmem:$0xC860]  }
0x37: {  	[tilespmem:$0xC890] =	vst v8;
	v8 =	vadd.s32 s24, v10;
	v10 =	vld [tilespmem:$0xC870]  }
0x38: {  	[tilespmem:$0xC8A0] =	vst v8;
	v8 =	vadd.s32 s24, v11  }
0x39: {  	[tilespmem:$0xC8B0] =	vst v8;
	v8 =	vadd.s32 s24, v12  }
0x3a: {  	[tilespmem:$0xC8C0] =	vst v8;
	v8 =	vadd.s32 s24, v13  }
0x3b: {  	[tilespmem:$0xC8D0] =	vst v8;
	v8 =	vadd.s32 s24, v9  }
0x3c: {  	s25 =	sshll.u32 s22, $0xA;
	[tilespmem:$0xC8E0] =	vst v8;
	v8 =	vadd.s32 s24, v10  }
0x3d: {  	s23 =	sshrl.u32 s25, $0x2;
	[tilespmem:$0xC8F0] =	vst v8  }
0x3e: {  	v12 =	vld [tilespmem:s23+$0x6400]  }
0x3f: {  	v14 =	vld [tilespmem:s23+$0x6410]  }
0x40: {  	v15 =	vld [tilespmem:s23+$0x6420]  }
0x41: {  	v13 =	vld [tilespmem:s23+$0x6430]  }
0x42: {  	v16 =	vld [tilespmem:s31+$0x80]  }
0x43: {  	v11 =	vld [tilespmem:s23+$0x6440]  }
0x44: {  	v10 =	vld [tilespmem:s23+$0x6450]  }
0x45: {  	v9 =	vld [tilespmem:s23+$0x6460]  }
0x46: {  	v17 =	vld [tilespmem:s31+$0xFFFFFF00]  }
0x47: {  	v18 =	vld [tilespmem:s31+$0xFFFFFF80];
	v16 =	vadd.f32 v16, v12  }
0x48: {  	s26 =	simm.s32 $0x14A80;
	v19 =	vld [tilespmem:s31+$0x0]  }
0x49: {  	v8 =	vld [tilespmem:s23+$0x6470];
	[tilespmem:s26+$0x80] =	vst v16  }
0x4a: {  	v16 =	vld [tilespmem:s31+$0x90]  }
0x4b: {  	v17 =	vadd.f32 v17, v12  }
0x4c: {  	v18 =	vadd.f32 v18, v12  }
0x4d: {  	v19 =	vadd.f32 v19, v12;
	[tilespmem:s26+$0xFFFFFF00] =	vst v17  }
0x4e: {  	[tilespmem:s26+$0xFFFFFF80] =	vst v18;
	v17 =	vld [tilespmem:s31+$0xFFFFFF10]  }
0x4f: {  	[tilespmem:s26+$0x0] =	vst v19;
	v18 =	vld [tilespmem:s31+$0xFFFFFF90];
	v16 =	vadd.f32 v16, v14  }
0x50: {  	v19 =	vld [tilespmem:s31+$0x10]  }
0x51: {  	[tilespmem:s26+$0x90] =	vst v16  }
0x52: {  	v16 =	vld [tilespmem:s31+$0xA0]  }
0x53: {  	v17 =	vadd.f32 v17, v14  }
0x54: {  	v18 =	vadd.f32 v18, v14  }
0x55: {  	v19 =	vadd.f32 v19, v14;
	[tilespmem:s26+$0xFFFFFF10] =	vst v17  }
0x56: {  	[tilespmem:s26+$0xFFFFFF90] =	vst v18;
	v17 =	vld [tilespmem:s31+$0xFFFFFF20]  }
0x57: {  	[tilespmem:s26+$0x10] =	vst v19;
	v18 =	vld [tilespmem:s31+$0xFFFFFFA0];
	v16 =	vadd.f32 v16, v15  }
0x58: {  	v19 =	vld [tilespmem:s31+$0x20]  }
0x59: {  	[tilespmem:s26+$0xA0] =	vst v16  }
0x5a: {  	v16 =	vld [tilespmem:s31+$0xB0]  }
0x5b: {  	v17 =	vadd.f32 v17, v15  }
0x5c: {  	v18 =	vadd.f32 v18, v15  }
0x5d: {  	v19 =	vadd.f32 v19, v15;
	[tilespmem:s26+$0xFFFFFF20] =	vst v17  }
0x5e: {  	[tilespmem:s26+$0xFFFFFFA0] =	vst v18;
	v17 =	vld [tilespmem:s31+$0xFFFFFF30]  }
0x5f: {  	[tilespmem:s26+$0x20] =	vst v19;
	v18 =	vld [tilespmem:s31+$0xFFFFFFB0];
	v16 =	vadd.f32 v16, v13  }
0x60: {  	s28 =	simm.s32 $0xCC80;
	v19 =	vld [tilespmem:s31+$0x30]  }
0x61: {  	[tilespmem:s26+$0xB0] =	vst v16;
	v16 =	vld [tilespmem:s28+$0x80]  }
0x62: {  	v20 =	vld [tilespmem:s31+$0xC0]  }
0x63: {  	v21 =	vld [tilespmem:s28+$0xFFFFFF80];
	v17 =	vadd.f32 v17, v13  }
0x64: {  	v22 =	vld [tilespmem:s28+$0x0];
	v18 =	vadd.f32 v18, v13  }
0x65: {  	v19 =	vadd.f32 v19, v13;
	[tilespmem:s26+$0xFFFFFF30] =	vst v17;
	v17 =	vld [tilespmem:s28+$0xFFFFFF00]  }
0x66: {  	[tilespmem:s26+$0xFFFFFFB0] =	vst v18;
	v18 =	vld [tilespmem:s31+$0xFFFFFF40];
	v16 =	vadd.f32 v16, v12  }
0x67: {  	s29 =	simm.s32 $0x14C80;
	[tilespmem:s26+$0x30] =	vst v19;
	v19 =	vld [tilespmem:s31+$0xFFFFFFC0];
	v20 =	vadd.f32 v20, v11  }
0x68: {  	v21 =	vadd.f32 v21, v12;
	[tilespmem:s29+$0x80] =	vst v16;
	v16 =	vld [tilespmem:s31+$0x40]  }
0x69: {  	v22 =	vadd.f32 v22, v12;
	v23 =	vld [tilespmem:s28+$0x90];
	[tilespmem:s26+$0xC0] =	vst v20  }
0x6a: {  	[tilespmem:s29+$0xFFFFFF80] =	vst v21;
	v17 =	vadd.f32 v17, v12;
	v20 =	vld [tilespmem:s31+$0xD0]  }
0x6b: {  	[tilespmem:s29+$0x0] =	vst v22;
	v21 =	vld [tilespmem:s28+$0xFFFFFF90];
	v18 =	vadd.f32 v18, v11  }
0x6c: {  	v19 =	vadd.f32 v19, v11;
	[tilespmem:s29+$0xFFFFFF00] =	vst v17;
	v17 =	vld [tilespmem:s28+$0x10]  }
0x6d: {  	v22 =	vld [tilespmem:s28+$0xFFFFFF10];
	[tilespmem:s26+$0xFFFFFF40] =	vst v18;
	v16 =	vadd.f32 v16, v11  }
0x6e: {  	[tilespmem:s26+$0xFFFFFFC0] =	vst v19;
	v18 =	vadd.f32 v23, v14;
	v23 =	vld [tilespmem:s31+$0xFFFFFF50]  }
0x6f: {  	v19 =	vld [tilespmem:s31+$0xFFFFFFD0];
	[tilespmem:s26+$0x40] =	vst v16;
	v16 =	vadd.f32 v20, v10  }
0x70: {  	v20 =	vadd.f32 v21, v14;
	[tilespmem:s29+$0x90] =	vst v18;
	v18 =	vld [tilespmem:s31+$0x50]  }
0x71: {  	v17 =	vadd.f32 v17, v14;
	v21 =	vld [tilespmem:s28+$0xA0];
	[tilespmem:s26+$0xD0] =	vst v16  }
0x72: {  	v16 =	vadd.f32 v22, v14;
	[tilespmem:s29+$0xFFFFFF90] =	vst v20;
	v20 =	vld [tilespmem:s31+$0xE0]  }
0x73: {  	[tilespmem:s29+$0x10] =	vst v17;
	v22 =	vld [tilespmem:s28+$0xFFFFFFA0];
	v17 =	vadd.f32 v23, v10  }
0x74: {  	v19 =	vadd.f32 v19, v10;
	[tilespmem:s29+$0xFFFFFF10] =	vst v16;
	v16 =	vld [tilespmem:s28+$0x20]  }
0x75: {  	v23 =	vld [tilespmem:s28+$0xFFFFFF20];
	[tilespmem:s26+$0xFFFFFF50] =	vst v17;
	v17 =	vadd.f32 v18, v10  }
0x76: {  	[tilespmem:s26+$0xFFFFFFD0] =	vst v19;
	v18 =	vadd.f32 v21, v15;
	v21 =	vld [tilespmem:s31+$0xFFFFFF60]  }
0x77: {  	v19 =	vld [tilespmem:s31+$0xFFFFFFE0];
	[tilespmem:s26+$0x50] =	vst v17;
	v17 =	vadd.f32 v20, v9  }
0x78: {  	v20 =	vadd.f32 v22, v15;
	[tilespmem:s29+$0xA0] =	vst v18;
	v18 =	vld [tilespmem:s31+$0x60]  }
0x79: {  	v16 =	vadd.f32 v16, v15;
	v22 =	vld [tilespmem:s28+$0xB0];
	[tilespmem:s26+$0xE0] =	vst v17  }
0x7a: {  	v17 =	vadd.f32 v23, v15;
	[tilespmem:s29+$0xFFFFFFA0] =	vst v20;
	v23 =	vld [tilespmem:s31+$0xF0]  }
0x7b: {  	v24 =	vld [tilespmem:s28+$0xFFFFFFB0];
	[tilespmem:s29+$0x20] =	vst v16;
	v16 =	vadd.f32 v21, v9  }
0x7c: {  	v19 =	vadd.f32 v19, v9;
	[tilespmem:s29+$0xFFFFFF20] =	vst v17;
	v20 =	vld [tilespmem:s28+$0x30]  }
0x7d: {  	v21 =	vld [tilespmem:s28+$0xFFFFFF30];
	[tilespmem:s26+$0xFFFFFF60] =	vst v16;
	v18 =	vadd.f32 v18, v9  }
0x7e: {  	[tilespmem:s26+$0xFFFFFFE0] =	vst v19;
	v25 =	vadd.f32 v22, v13;
	v17 =	vld [tilespmem:s31+$0xFFFFFF70]  }
0x7f: {  	v16 =	vld [tilespmem:s31+$0xFFFFFFF0];
	[tilespmem:s26+$0x60] =	vst v18;
	v19 =	vadd.f32 v23, v8  }
0x80: {  	s30 =	simm.s32 $0x4;
	s2 =	simm.s32 $0xCE80;
	v22 =	vadd.f32 v24, v13;
	[tilespmem:s29+$0xB0] =	vst v25;
	v18 =	vld [tilespmem:s31+$0x70]  }
.LBB2_3:
0x81: {  	v23 =	vld [tilespmem:s2+$0x80];
	v20 =	vadd.f32 v20, v13;
	[tilespmem:s26+$0xF0] =	vst v19  }
0x82: {  	s30 =	sadd.s32 $0x4, s30;
	v19 =	vadd.f32 v21, v13;
	[tilespmem:s29+$0xFFFFFFB0] =	vst v22;
	v21 =	vld [tilespmem:s28+$0xC0]  }
0x83: {  	p1 =	slt.u32 s30, $0x7C;
	v22 =	vld [tilespmem:s2+$0xFFFFFF80];
	[tilespmem:s29+$0x30] =	vst v20;
	v17 =	vadd.f32 v17, v8  }
0x84: {  	v20 =	vld [tilespmem:s2+$0x0];
	[tilespmem:s29+$0xFFFFFF30] =	vst v19;
	v16 =	vadd.f32 v16, v8  }
0x85: {  	v19 =	vld [tilespmem:s2+$0xFFFFFF00];
	[tilespmem:s26+$0xFFFFFF70] =	vst v17;
	v17 =	vadd.f32 v18, v8  }
0x86: {  	v18 =	vadd.f32 v23, v12;
	v23 =	vld [tilespmem:s28+$0xFFFFFF40];
	[tilespmem:s26+$0xFFFFFFF0] =	vst v16  }
0x87: {  	v16 =	vld [tilespmem:s28+$0xFFFFFFC0];
	v21 =	vadd.f32 v21, v11;
	[tilespmem:s26+$0x70] =	vst v17;
	s26 =	smov.u32 s29;
	s29 =	sadd.s32 $0x200, s29  }
0x88: {  	v17 =	vadd.f32 v22, v12;
	[tilespmem:s29+$0x80] =	vst v18;
	v18 =	vld [tilespmem:s28+$0x40]  }
0x89: {  	v20 =	vadd.f32 v20, v12;
	v22 =	vld [tilespmem:s2+$0x90];
	[tilespmem:s26+$0xC0] =	vst v21  }
0x8a: {  	v19 =	vadd.f32 v19, v12;
	[tilespmem:s29+$0xFFFFFF80] =	vst v17;
	v17 =	vld [tilespmem:s28+$0xD0]  }
0x8b: {  	v21 =	vld [tilespmem:s2+$0xFFFFFF90];
	[tilespmem:s29+$0x0] =	vst v20;
	v20 =	vadd.f32 v23, v11  }
0x8c: {  	[tilespmem:s29+$0xFFFFFF00] =	vst v19;
	v19 =	vld [tilespmem:s2+$0x10];
	v16 =	vadd.f32 v16, v11  }
0x8d: {  	v23 =	vld [tilespmem:s2+$0xFFFFFF10];
	[tilespmem:s26+$0xFFFFFF40] =	vst v20;
	v18 =	vadd.f32 v18, v11  }
0x8e: {  	v20 =	vadd.f32 v22, v14;
	v22 =	vld [tilespmem:s28+$0xFFFFFF50];
	[tilespmem:s26+$0xFFFFFFC0] =	vst v16  }
0x8f: {  	v16 =	vld [tilespmem:s28+$0xFFFFFFD0];
	[tilespmem:s26+$0x40] =	vst v18;
	v17 =	vadd.f32 v17, v10  }
0x90: {  	v18 =	vadd.f32 v21, v14;
	[tilespmem:s29+$0x90] =	vst v20;
	v20 =	vld [tilespmem:s28+$0x50]  }
0x91: {  	v19 =	vadd.f32 v19, v14;
	v21 =	vld [tilespmem:s2+$0xA0];
	[tilespmem:s26+$0xD0] =	vst v17  }
0x92: {  	v17 =	vadd.f32 v23, v14;
	[tilespmem:s29+$0xFFFFFF90] =	vst v18;
	v18 =	vld [tilespmem:s28+$0xE0]  }
0x93: {  	v23 =	vld [tilespmem:s2+$0xFFFFFFA0];
	[tilespmem:s29+$0x10] =	vst v19;
	v19 =	vadd.f32 v22, v10  }
0x94: {  	[tilespmem:s29+$0xFFFFFF10] =	vst v17;
	v17 =	vld [tilespmem:s2+$0x20];
	v16 =	vadd.f32 v16, v10  }
0x95: {  	v22 =	vld [tilespmem:s2+$0xFFFFFF20];
	[tilespmem:s26+$0xFFFFFF50] =	vst v19;
	v19 =	vadd.f32 v20, v10  }
0x96: {  	v20 =	vadd.f32 v21, v15;
	v21 =	vld [tilespmem:s28+$0xFFFFFF60];
	[tilespmem:s26+$0xFFFFFFD0] =	vst v16  }
0x97: {  	v16 =	vld [tilespmem:s28+$0xFFFFFFE0];
	[tilespmem:s26+$0x50] =	vst v19;
	v18 =	vadd.f32 v18, v9  }
0x98: {  	v19 =	vadd.f32 v23, v15;
	[tilespmem:s29+$0xA0] =	vst v20;
	v23 =	vld [tilespmem:s28+$0x60]  }
0x99: {  	v17 =	vadd.f32 v17, v15;
	v24 =	vld [tilespmem:s2+$0xB0];
	[tilespmem:s26+$0xE0] =	vst v18  }
0x9a: {  	v18 =	vadd.f32 v22, v15;
	[tilespmem:s29+$0xFFFFFFA0] =	vst v19;
	v19 =	vld [tilespmem:s28+$0xF0]  }
0x9b: {  	v22 =	vld [tilespmem:s2+$0xFFFFFFB0];
	[tilespmem:s29+$0x20] =	vst v17;
	v17 =	vadd.f32 v21, v9  }
.Ltmp2:
0x9c: {  	[tilespmem:s29+$0xFFFFFF20] =	vst v18;
	v20 =	vld [tilespmem:s2+$0x30];
	v16 =	vadd.f32 v16, v9;
	(pc) =	sbr.rel @p1 .LBB2_3-.Ltmp2, $4  }
0x9d: {  	v21 =	vld [tilespmem:s2+$0xFFFFFF30];
	[tilespmem:s26+$0xFFFFFF60] =	vst v17;
	v18 =	vadd.f32 v23, v9  }
0x9e: {  	v23 =	vadd.f32 v24, v13;
	v17 =	vld [tilespmem:s28+$0xFFFFFF70];
	[tilespmem:s26+$0xFFFFFFE0] =	vst v16  }
0x9f: {  	v16 =	vld [tilespmem:s28+$0xFFFFFFF0];
	[tilespmem:s26+$0x60] =	vst v18;
	v19 =	vadd.f32 v19, v8  }
0xa0: {  	v22 =	vadd.f32 v22, v13;
	[tilespmem:s29+$0xB0] =	vst v23;
	v18 =	vld [tilespmem:s28+$0x70];
	s28 =	smov.u32 s2;
	s2 =	sadd.s32 $0x200, s2  }
0xa1: {  	_ = 	snop  }
0xa2: {  	v12 =	vadd.f32 v21, v13  }
0xa3: {  	v14 =	vld [tilespmem:s28+$0xC0];
	v13 =	vadd.f32 v20, v13;
	[tilespmem:s29+$0xFFFFFFB0] =	vst v22  }
0xa4: {  	[tilespmem:s29+$0xFFFFFF30] =	vst v12  }
0xa5: {  	[tilespmem:s29+$0x30] =	vst v13;
	v13 =	vld [tilespmem:s28+$0xFFFFFFC0]  }
0xa6: {  	v12 =	vld [tilespmem:s28+$0xFFFFFF40]  }
0xa7: {  	v15 =	vld [tilespmem:s28+$0x40]  }
0xa8: {  	v14 =	vadd.f32 v14, v11;
	_ =	sdelay $0x1  }
0xa9: {  	[tilespmem:s29+$0xC0] =	vst v14;
	v13 =	vadd.f32 v13, v11  }
0xaa: {  	v14 =	vld [tilespmem:s28+$0xD0];
	v12 =	vadd.f32 v12, v11  }
0xab: {  	v11 =	vadd.f32 v15, v11;
	[tilespmem:s29+$0xFFFFFFC0] =	vst v13  }
0xac: {  	[tilespmem:s29+$0xFFFFFF40] =	vst v12;
	v13 =	vld [tilespmem:s28+$0xFFFFFFD0]  }
0xad: {  	[tilespmem:s29+$0x40] =	vst v11;
	v12 =	vld [tilespmem:s28+$0xFFFFFF50]  }
0xae: {  	v11 =	vld [tilespmem:s28+$0x50]  }
0xaf: {  	v14 =	vadd.f32 v14, v10;
	_ =	sdelay $0x1  }
0xb0: {  	[tilespmem:s29+$0xD0] =	vst v14;
	v13 =	vadd.f32 v13, v10  }
0xb1: {  	v14 =	vld [tilespmem:s28+$0xE0];
	v12 =	vadd.f32 v12, v10  }
0xb2: {  	v10 =	vadd.f32 v11, v10;
	[tilespmem:s29+$0xFFFFFFD0] =	vst v13  }
0xb3: {  	[tilespmem:s29+$0xFFFFFF50] =	vst v12;
	v12 =	vld [tilespmem:s28+$0xFFFFFFE0]  }
0xb4: {  	[tilespmem:s29+$0x50] =	vst v10;
	v11 =	vld [tilespmem:s28+$0xFFFFFF60]  }
0xb5: {  	v10 =	vld [tilespmem:s28+$0x60]  }
0xb6: {  	v13 =	vadd.f32 v14, v9;
	_ =	sdelay $0x1  }
0xb7: {  	[tilespmem:s29+$0xE0] =	vst v13;
	v12 =	vadd.f32 v12, v9  }
0xb8: {  	v13 =	vld [tilespmem:s28+$0xF0];
	v11 =	vadd.f32 v11, v9  }
0xb9: {  	v9 =	vadd.f32 v10, v9;
	[tilespmem:s29+$0xFFFFFFE0] =	vst v12  }
0xba: {  	[tilespmem:s29+$0xFFFFFF60] =	vst v11;
	v12 =	vld [tilespmem:s28+$0xFFFFFFF0]  }
0xbb: {  	[tilespmem:s29+$0x60] =	vst v9;
	v9 =	vadd.f32 v16, v8;
	v10 =	vld [tilespmem:s28+$0xFFFFFF70]  }
0xbc: {  	[tilespmem:s26+$0xF0] =	vst v19;
	v11 =	vadd.f32 v17, v8;
	v14 =	vld [tilespmem:s28+$0x70]  }
0xbd: {  	[tilespmem:s26+$0xFFFFFFF0] =	vst v9;
	v9 =	vadd.f32 v13, v8  }
0xbe: {  	[tilespmem:s26+$0xFFFFFF70] =	vst v11;
	v11 =	vadd.f32 v18, v8  }
0xbf: {  	[tilespmem:s29+$0xF0] =	vst v9;
	v9 =	vadd.f32 v12, v8  }
0xc0: {  	[tilespmem:s26+$0x70] =	vst v11;
	v10 =	vadd.f32 v10, v8  }
0xc1: {  	v8 =	vadd.f32 v14, v8;
	[tilespmem:s29+$0xFFFFFFF0] =	vst v9  }
0xc2: {  	p1 =	seq.s32 s22, $0x63;
	[tilespmem:s29+$0xFFFFFF70] =	vst v10  }
0xc3: {  	s2 =	sshrl.u32 @!p1 s25, $0x2;
	[tilespmem:s29+$0x70] =	vst v8  }
0xc4: {  	[hbm4b:s4+s10] =	stream.indirect.scatter [tilespmem:s15], [sflag:$0x3], $0x80, s14, s10, $0xb8;
	[tilespmem:$0x1C980] =	vst v63  }
0xc5: {  	s25 =	simm.s32 @!p1 $0x80;
	s2 =	sadd.s32 @!p1 $0x100, s2;
	s26 =	simm.s32 @!p1 $0xC980  }
0xc6: {  	[tilespmem:s26], [sflag:$0x1] =	stream.indirect.gather @!p1 [hbm4b:s1+s25], $0x80, s2, s25, $0xb8;
	[tilespmem:$0x1C980] =	vst v63  }
0xc7: {  	_ =	swait.ge [sflag:s16], $0x4000  }
0xc8: {  	[sflag:s16] =	ssyncset.done $0x0  }
0xc9: {  	s2 =	simm.s32 @!p0 $0x4;
	[sflag:s16] =	ssyncadd.s32 $0xFFFFC000  }
0xca: {  	_ =	swait.ge @!p0 [sflag:s2], $0x4000  }
0xcb: {  	[sflag:s2] =	ssyncset.done @!p0 $0x0  }
0xcc: {  	[sflag:s2] =	ssyncadd.s32 @!p0 $0xFFFFC000  }
0xcd: {  	v8 =	vld [tilespmem:$0xC800]  }
0xce: {  	v9 =	vld [tilespmem:$0xC810]  }
0xcf: {  	v10 =	vld [tilespmem:$0xC820]  }
0xd0: {  	v11 =	vld [tilespmem:$0xC830]  }
0xd1: {  	s29 =	sor.u32 $0x1, s24;
	v12 =	vld [tilespmem:$0xC840]  }
0xd2: {  	v13 =	vld [tilespmem:$0xC850];
	v8 =	vadd.s32 s29, v8  }
0xd3: {  	[tilespmem:$0xC900] =	vst v8;
	v8 =	vadd.s32 s29, v9;
	v9 =	vld [tilespmem:$0xC860]  }
0xd4: {  	[tilespmem:$0xC910] =	vst v8;
	v8 =	vadd.s32 s29, v10;
	v10 =	vld [tilespmem:$0xC870]  }
0xd5: {  	[tilespmem:$0xC920] =	vst v8;
	v8 =	vadd.s32 s29, v11  }
0xd6: {  	[tilespmem:$0xC930] =	vst v8;
	v8 =	vadd.s32 s29, v12  }
0xd7: {  	[tilespmem:$0xC940] =	vst v8;
	v8 =	vadd.s32 s29, v13  }
0xd8: {  	[tilespmem:$0xC950] =	vst v8;
	v8 =	vadd.s32 s29, v9  }
0xd9: {  	s2 =	sshll.u32 s29, $0x7;
	[tilespmem:$0xC960] =	vst v8;
	v8 =	vadd.s32 s29, v10  }
0xda: {  	s2 =	sand.u32 $0x3FFFFF80, s2;
	[tilespmem:$0xC970] =	vst v8  }
0xdb: {  	v12 =	vld [tilespmem:s2+$0x6400]  }
0xdc: {  	v14 =	vld [tilespmem:s2+$0x6410]  }
0xdd: {  	v15 =	vld [tilespmem:s2+$0x6420]  }
0xde: {  	s30 =	simm.s32 $0x10A80;
	v13 =	vld [tilespmem:s2+$0x6430]  }
0xdf: {  	v16 =	vld [tilespmem:s30+$0x80]  }
0xe0: {  	v11 =	vld [tilespmem:s2+$0x6440]  }
0xe1: {  	v10 =	vld [tilespmem:s2+$0x6450]  }
0xe2: {  	v9 =	vld [tilespmem:s2+$0x6460]  }
0xe3: {  	v17 =	vld [tilespmem:s30+$0xFFFFFF00]  }
0xe4: {  	v18 =	vld [tilespmem:s30+$0xFFFFFF80];
	v16 =	vadd.f32 v16, v12  }
0xe5: {  	s24 =	simm.s32 $0x18A80;
	v19 =	vld [tilespmem:s30+$0x0]  }
0xe6: {  	v8 =	vld [tilespmem:s2+$0x6470];
	[tilespmem:s24+$0x80] =	vst v16  }
0xe7: {  	v16 =	vld [tilespmem:s30+$0x90]  }
0xe8: {  	v17 =	vadd.f32 v17, v12  }
0xe9: {  	v18 =	vadd.f32 v18, v12  }
0xea: {  	v19 =	vadd.f32 v19, v12;
	[tilespmem:s24+$0xFFFFFF00] =	vst v17  }
0xeb: {  	[tilespmem:s24+$0xFFFFFF80] =	vst v18;
	v17 =	vld [tilespmem:s30+$0xFFFFFF10]  }
0xec: {  	[tilespmem:s24+$0x0] =	vst v19;
	v18 =	vld [tilespmem:s30+$0xFFFFFF90];
	v16 =	vadd.f32 v16, v14  }
0xed: {  	v19 =	vld [tilespmem:s30+$0x10]  }
0xee: {  	[tilespmem:s24+$0x90] =	vst v16  }
0xef: {  	v16 =	vld [tilespmem:s30+$0xA0]  }
0xf0: {  	v17 =	vadd.f32 v17, v14  }
0xf1: {  	v18 =	vadd.f32 v18, v14  }
0xf2: {  	v19 =	vadd.f32 v19, v14;
	[tilespmem:s24+$0xFFFFFF10] =	vst v17  }
0xf3: {  	[tilespmem:s24+$0xFFFFFF90] =	vst v18;
	v17 =	vld [tilespmem:s30+$0xFFFFFF20]  }
0xf4: {  	[tilespmem:s24+$0x10] =	vst v19;
	v18 =	vld [tilespmem:s30+$0xFFFFFFA0];
	v16 =	vadd.f32 v16, v15  }
0xf5: {  	v19 =	vld [tilespmem:s30+$0x20]  }
0xf6: {  	[tilespmem:s24+$0xA0] =	vst v16  }
0xf7: {  	v16 =	vld [tilespmem:s30+$0xB0]  }
0xf8: {  	v17 =	vadd.f32 v17, v15  }
0xf9: {  	v18 =	vadd.f32 v18, v15  }
0xfa: {  	v19 =	vadd.f32 v19, v15;
	[tilespmem:s24+$0xFFFFFF20] =	vst v17  }
0xfb: {  	[tilespmem:s24+$0xFFFFFFA0] =	vst v18;
	v17 =	vld [tilespmem:s30+$0xFFFFFF30]  }
0xfc: {  	[tilespmem:s24+$0x20] =	vst v19;
	v18 =	vld [tilespmem:s30+$0xFFFFFFB0];
	v16 =	vadd.f32 v16, v13  }
0xfd: {  	s25 =	simm.s32 $0x10C80;
	v19 =	vld [tilespmem:s30+$0x30]  }
0xfe: {  	[tilespmem:s24+$0xB0] =	vst v16;
	v16 =	vld [tilespmem:s25+$0x80]  }
0xff: {  	v20 =	vld [tilespmem:s30+$0xC0]  }
0x100: {  	v21 =	vld [tilespmem:s25+$0xFFFFFF80];
	v17 =	vadd.f32 v17, v13  }
0x101: {  	v22 =	vld [tilespmem:s25+$0x0];
	v18 =	vadd.f32 v18, v13  }
0x102: {  	v19 =	vadd.f32 v19, v13;
	[tilespmem:s24+$0xFFFFFF30] =	vst v17;
	v17 =	vld [tilespmem:s25+$0xFFFFFF00]  }
0x103: {  	[tilespmem:s24+$0xFFFFFFB0] =	vst v18;
	v18 =	vld [tilespmem:s30+$0xFFFFFF40];
	v16 =	vadd.f32 v16, v12  }
0x104: {  	s26 =	simm.s32 $0x18C80;
	[tilespmem:s24+$0x30] =	vst v19;
	v19 =	vld [tilespmem:s30+$0xFFFFFFC0];
	v20 =	vadd.f32 v20, v11  }
0x105: {  	v21 =	vadd.f32 v21, v12;
	[tilespmem:s26+$0x80] =	vst v16;
	v16 =	vld [tilespmem:s30+$0x40]  }
0x106: {  	v22 =	vadd.f32 v22, v12;
	v23 =	vld [tilespmem:s25+$0x90];
	[tilespmem:s24+$0xC0] =	vst v20  }
0x107: {  	[tilespmem:s26+$0xFFFFFF80] =	vst v21;
	v17 =	vadd.f32 v17, v12;
	v20 =	vld [tilespmem:s30+$0xD0]  }
0x108: {  	[tilespmem:s26+$0x0] =	vst v22;
	v21 =	vld [tilespmem:s25+$0xFFFFFF90];
	v18 =	vadd.f32 v18, v11  }
0x109: {  	v19 =	vadd.f32 v19, v11;
	[tilespmem:s26+$0xFFFFFF00] =	vst v17;
	v17 =	vld [tilespmem:s25+$0x10]  }
0x10a: {  	v22 =	vld [tilespmem:s25+$0xFFFFFF10];
	[tilespmem:s24+$0xFFFFFF40] =	vst v18;
	v16 =	vadd.f32 v16, v11  }
0x10b: {  	[tilespmem:s24+$0xFFFFFFC0] =	vst v19;
	v18 =	vadd.f32 v23, v14;
	v23 =	vld [tilespmem:s30+$0xFFFFFF50]  }
0x10c: {  	v19 =	vld [tilespmem:s30+$0xFFFFFFD0];
	[tilespmem:s24+$0x40] =	vst v16;
	v16 =	vadd.f32 v20, v10  }
0x10d: {  	v20 =	vadd.f32 v21, v14;
	[tilespmem:s26+$0x90] =	vst v18;
	v18 =	vld [tilespmem:s30+$0x50]  }
0x10e: {  	v17 =	vadd.f32 v17, v14;
	v21 =	vld [tilespmem:s25+$0xA0];
	[tilespmem:s24+$0xD0] =	vst v16  }
0x10f: {  	v16 =	vadd.f32 v22, v14;
	[tilespmem:s26+$0xFFFFFF90] =	vst v20;
	v20 =	vld [tilespmem:s30+$0xE0]  }
0x110: {  	[tilespmem:s26+$0x10] =	vst v17;
	v22 =	vld [tilespmem:s25+$0xFFFFFFA0];
	v17 =	vadd.f32 v23, v10  }
0x111: {  	v19 =	vadd.f32 v19, v10;
	[tilespmem:s26+$0xFFFFFF10] =	vst v16;
	v16 =	vld [tilespmem:s25+$0x20]  }
0x112: {  	v23 =	vld [tilespmem:s25+$0xFFFFFF20];
	[tilespmem:s24+$0xFFFFFF50] =	vst v17;
	v17 =	vadd.f32 v18, v10  }
0x113: {  	[tilespmem:s24+$0xFFFFFFD0] =	vst v19;
	v18 =	vadd.f32 v21, v15;
	v21 =	vld [tilespmem:s30+$0xFFFFFF60]  }
0x114: {  	v19 =	vld [tilespmem:s30+$0xFFFFFFE0];
	[tilespmem:s24+$0x50] =	vst v17;
	v17 =	vadd.f32 v20, v9  }
0x115: {  	v20 =	vadd.f32 v22, v15;
	[tilespmem:s26+$0xA0] =	vst v18;
	v18 =	vld [tilespmem:s30+$0x60]  }
0x116: {  	v16 =	vadd.f32 v16, v15;
	v22 =	vld [tilespmem:s25+$0xB0];
	[tilespmem:s24+$0xE0] =	vst v17  }
0x117: {  	v17 =	vadd.f32 v23, v15;
	[tilespmem:s26+$0xFFFFFFA0] =	vst v20;
	v23 =	vld [tilespmem:s30+$0xF0]  }
0x118: {  	v24 =	vld [tilespmem:s25+$0xFFFFFFB0];
	[tilespmem:s26+$0x20] =	vst v16;
	v16 =	vadd.f32 v21, v9  }
0x119: {  	v19 =	vadd.f32 v19, v9;
	[tilespmem:s26+$0xFFFFFF20] =	vst v17;
	v20 =	vld [tilespmem:s25+$0x30]  }
0x11a: {  	v21 =	vld [tilespmem:s25+$0xFFFFFF30];
	[tilespmem:s24+$0xFFFFFF60] =	vst v16;
	v18 =	vadd.f32 v18, v9  }
0x11b: {  	[tilespmem:s24+$0xFFFFFFE0] =	vst v19;
	v25 =	vadd.f32 v22, v13;
	v17 =	vld [tilespmem:s30+$0xFFFFFF70]  }
0x11c: {  	v16 =	vld [tilespmem:s30+$0xFFFFFFF0];
	[tilespmem:s24+$0x60] =	vst v18;
	v19 =	vadd.f32 v23, v8  }
0x11d: {  	s28 =	simm.s32 $0x4;
	s2 =	simm.s32 $0x10E80;
	v22 =	vadd.f32 v24, v13;
	[tilespmem:s26+$0xB0] =	vst v25;
	v18 =	vld [tilespmem:s30+$0x70]  }
.LBB2_5:
0x11e: {  	v23 =	vld [tilespmem:s2+$0x80];
	v20 =	vadd.f32 v20, v13;
	[tilespmem:s24+$0xF0] =	vst v19  }
0x11f: {  	s28 =	sadd.s32 $0x4, s28;
	v19 =	vadd.f32 v21, v13;
	[tilespmem:s26+$0xFFFFFFB0] =	vst v22;
	v21 =	vld [tilespmem:s25+$0xC0]  }
0x120: {  	p0 =	slt.u32 s28, $0x7C;
	v22 =	vld [tilespmem:s2+$0xFFFFFF80];
	[tilespmem:s26+$0x30] =	vst v20;
	v17 =	vadd.f32 v17, v8  }
0x121: {  	v20 =	vld [tilespmem:s2+$0x0];
	[tilespmem:s26+$0xFFFFFF30] =	vst v19;
	v16 =	vadd.f32 v16, v8  }
0x122: {  	v19 =	vld [tilespmem:s2+$0xFFFFFF00];
	[tilespmem:s24+$0xFFFFFF70] =	vst v17;
	v17 =	vadd.f32 v18, v8  }
0x123: {  	v18 =	vadd.f32 v23, v12;
	v23 =	vld [tilespmem:s25+$0xFFFFFF40];
	[tilespmem:s24+$0xFFFFFFF0] =	vst v16  }
0x124: {  	v16 =	vld [tilespmem:s25+$0xFFFFFFC0];
	v21 =	vadd.f32 v21, v11;
	[tilespmem:s24+$0x70] =	vst v17;
	s24 =	smov.u32 s26;
	s26 =	sadd.s32 $0x200, s26  }
0x125: {  	v17 =	vadd.f32 v22, v12;
	[tilespmem:s26+$0x80] =	vst v18;
	v18 =	vld [tilespmem:s25+$0x40]  }
0x126: {  	v20 =	vadd.f32 v20, v12;
	v22 =	vld [tilespmem:s2+$0x90];
	[tilespmem:s24+$0xC0] =	vst v21  }
0x127: {  	v19 =	vadd.f32 v19, v12;
	[tilespmem:s26+$0xFFFFFF80] =	vst v17;
	v17 =	vld [tilespmem:s25+$0xD0]  }
0x128: {  	v21 =	vld [tilespmem:s2+$0xFFFFFF90];
	[tilespmem:s26+$0x0] =	vst v20;
	v20 =	vadd.f32 v23, v11  }
0x129: {  	[tilespmem:s26+$0xFFFFFF00] =	vst v19;
	v19 =	vld [tilespmem:s2+$0x10];
	v16 =	vadd.f32 v16, v11  }
0x12a: {  	v23 =	vld [tilespmem:s2+$0xFFFFFF10];
	[tilespmem:s24+$0xFFFFFF40] =	vst v20;
	v18 =	vadd.f32 v18, v11  }
0x12b: {  	v20 =	vadd.f32 v22, v14;
	v22 =	vld [tilespmem:s25+$0xFFFFFF50];
	[tilespmem:s24+$0xFFFFFFC0] =	vst v16  }
0x12c: {  	v16 =	vld [tilespmem:s25+$0xFFFFFFD0];
	[tilespmem:s24+$0x40] =	vst v18;
	v17 =	vadd.f32 v17, v10  }
0x12d: {  	v18 =	vadd.f32 v21, v14;
	[tilespmem:s26+$0x90] =	vst v20;
	v20 =	vld [tilespmem:s25+$0x50]  }
0x12e: {  	v19 =	vadd.f32 v19, v14;
	v21 =	vld [tilespmem:s2+$0xA0];
	[tilespmem:s24+$0xD0] =	vst v17  }
0x12f: {  	v17 =	vadd.f32 v23, v14;
	[tilespmem:s26+$0xFFFFFF90] =	vst v18;
	v18 =	vld [tilespmem:s25+$0xE0]  }
0x130: {  	v23 =	vld [tilespmem:s2+$0xFFFFFFA0];
	[tilespmem:s26+$0x10] =	vst v19;
	v19 =	vadd.f32 v22, v10  }
0x131: {  	[tilespmem:s26+$0xFFFFFF10] =	vst v17;
	v17 =	vld [tilespmem:s2+$0x20];
	v16 =	vadd.f32 v16, v10  }
0x132: {  	v22 =	vld [tilespmem:s2+$0xFFFFFF20];
	[tilespmem:s24+$0xFFFFFF50] =	vst v19;
	v19 =	vadd.f32 v20, v10  }
0x133: {  	v20 =	vadd.f32 v21, v15;
	v21 =	vld [tilespmem:s25+$0xFFFFFF60];
	[tilespmem:s24+$0xFFFFFFD0] =	vst v16  }
0x134: {  	v16 =	vld [tilespmem:s25+$0xFFFFFFE0];
	[tilespmem:s24+$0x50] =	vst v19;
	v18 =	vadd.f32 v18, v9  }
0x135: {  	v19 =	vadd.f32 v23, v15;
	[tilespmem:s26+$0xA0] =	vst v20;
	v23 =	vld [tilespmem:s25+$0x60]  }
0x136: {  	v17 =	vadd.f32 v17, v15;
	v24 =	vld [tilespmem:s2+$0xB0];
	[tilespmem:s24+$0xE0] =	vst v18  }
0x137: {  	v18 =	vadd.f32 v22, v15;
	[tilespmem:s26+$0xFFFFFFA0] =	vst v19;
	v19 =	vld [tilespmem:s25+$0xF0]  }
0x138: {  	v22 =	vld [tilespmem:s2+$0xFFFFFFB0];
	[tilespmem:s26+$0x20] =	vst v17;
	v17 =	vadd.f32 v21, v9  }
.Ltmp3:
0x139: {  	[tilespmem:s26+$0xFFFFFF20] =	vst v18;
	v20 =	vld [tilespmem:s2+$0x30];
	v16 =	vadd.f32 v16, v9;
	(pc) =	sbr.rel @p0 .LBB2_5-.Ltmp3, $4  }
0x13a: {  	v21 =	vld [tilespmem:s2+$0xFFFFFF30];
	[tilespmem:s24+$0xFFFFFF60] =	vst v17;
	v18 =	vadd.f32 v23, v9  }
0x13b: {  	v23 =	vadd.f32 v24, v13;
	v17 =	vld [tilespmem:s25+$0xFFFFFF70];
	[tilespmem:s24+$0xFFFFFFE0] =	vst v16  }
0x13c: {  	v16 =	vld [tilespmem:s25+$0xFFFFFFF0];
	[tilespmem:s24+$0x60] =	vst v18;
	v19 =	vadd.f32 v19, v8  }
0x13d: {  	v22 =	vadd.f32 v22, v13;
	[tilespmem:s26+$0xB0] =	vst v23;
	v18 =	vld [tilespmem:s25+$0x70];
	s25 =	smov.u32 s2;
	s2 =	sadd.s32 $0x200, s2  }
0x13e: {  	_ = 	snop  }
0x13f: {  	v12 =	vadd.f32 v21, v13  }
0x140: {  	v49 =	vadd.f32 v20, v13;
	v14 =	vld [tilespmem:s25+$0xC0];
	[tilespmem:s26+$0xFFFFFFB0] =	vst v22  }
0x141: {  	v50 =	vld [tilespmem:s25+$0xFFFFFFC0];
	[tilespmem:s26+$0xFFFFFF30] =	vst v12  }
0x142: {  	[tilespmem:s26+$0x30] =	vst v49;
	v12 =	vld [tilespmem:s25+$0xFFFFFF40]  }
0x143: {  	v15 =	vld [tilespmem:s25+$0x40];
	_ =	sdelay $0x1  }
0x144: {  	v14 =	vadd.f32 v14, v11  }
0x145: {  	v13 =	vadd.f32 v50, v11  }
0x146: {  	[tilespmem:s26+$0xC0] =	vst v14;
	v12 =	vadd.f32 v12, v11  }
0x147: {  	v14 =	vld [tilespmem:s25+$0xD0];
	v51 =	vadd.f32 v15, v11;
	[tilespmem:s26+$0xFFFFFFC0] =	vst v13  }
0x148: {  	v13 =	vld [tilespmem:s25+$0xFFFFFFD0];
	[tilespmem:s26+$0xFFFFFF40] =	vst v12  }
0x149: {  	[tilespmem:s26+$0x40] =	vst v51;
	v12 =	vld [tilespmem:s25+$0xFFFFFF50]  }
0x14a: {  	v11 =	vld [tilespmem:s25+$0x50];
	_ =	sdelay $0x1  }
0x14b: {  	v14 =	vadd.f32 v14, v10  }
0x14c: {  	v13 =	vadd.f32 v13, v10  }
0x14d: {  	[tilespmem:s26+$0xD0] =	vst v14;
	v12 =	vadd.f32 v12, v10  }
0x14e: {  	v14 =	vld [tilespmem:s25+$0xE0];
	v52 =	vadd.f32 v11, v10;
	[tilespmem:s26+$0xFFFFFFD0] =	vst v13  }
0x14f: {  	v54 =	vld [tilespmem:s25+$0xFFFFFFE0];
	[tilespmem:s26+$0xFFFFFF50] =	vst v12  }
0x150: {  	[tilespmem:s26+$0x50] =	vst v52;
	v53 =	vld [tilespmem:s25+$0xFFFFFF60]  }
0x151: {  	v10 =	vld [tilespmem:s25+$0x60];
	_ =	sdelay $0x1  }
0x152: {  	v55 =	vadd.f32 v14, v9  }
0x153: {  	v12 =	vadd.f32 v54, v9  }
0x154: {  	[tilespmem:s26+$0xE0] =	vst v55;
	v11 =	vadd.f32 v53, v9  }
0x155: {  	v13 =	vld [tilespmem:s25+$0xF0];
	v56 =	vadd.f32 v10, v9;
	[tilespmem:s26+$0xFFFFFFE0] =	vst v12  }
0x156: {  	v12 =	vld [tilespmem:s25+$0xFFFFFFF0];
	[tilespmem:s26+$0xFFFFFF60] =	vst v11  }
0x157: {  	v58 =	vadd.f32 v17, v8;
	[tilespmem:s26+$0x60] =	vst v56;
	v57 =	vld [tilespmem:s25+$0xFFFFFF70]  }
0x158: {  	[tilespmem:s24+$0xF0] =	vst v19;
	v59 =	vadd.f32 v16, v8;
	v60 =	vld [tilespmem:s25+$0x70]  }
0x159: {  	[tilespmem:s24+$0xFFFFFF70] =	vst v58;
	v61 =	vadd.f32 v18, v8  }
0x15a: {  	[tilespmem:s24+$0xFFFFFFF0] =	vst v59;
	v62 =	vadd.f32 v13, v8  }
0x15b: {  	[tilespmem:s24+$0x70] =	vst v61;
	v63 =	vadd.f32 v12, v8  }
.Ltmp4:
0x15c: {  	[tilespmem:s26+$0xF0] =	vst v62;
	v10 =	vadd.f32 v57, v8;
	(pc) =	sbr.rel @p1 .LBB2_8-.Ltmp4, $4  }
0x15d: {  	v8 =	vadd.f32 v60, v8;
	[tilespmem:s26+$0xFFFFFFF0] =	vst v63  }
0x15e: {  	[tilespmem:s26+$0xFFFFFF70] =	vst v10  }
0x15f: {  	[tilespmem:s26+$0x70] =	vst v8  }
0x160: {  	[hbm4b:s4+s10] =	stream.indirect.scatter [tilespmem:s18], [sflag:$0x4], $0x80, s17, s10, $0xb8;
	[tilespmem:$0x1C980] =	vst v63  }
.Ltmp5:
0x161: {  	(pc) =	sbr.rel .LBB2_2-.Ltmp5, $3  }
0x162: {  	_ =	sdelay $0x1  }
0x163: {  	s2 =	sadd.s32 $0x180, s23;
	s22 =	sadd.s32 $0x1, s22  }
0x164: {  	[tilespmem:s12], [sflag:$0x2] =	stream.indirect.gather [hbm4b:s1+s10], $0x80, s2, s10, $0xb8;
	[tilespmem:$0x1C980] =	vst v63  }
.LBB2_9:
0x165: {  	_ =	sfence.sel $0x180000  }
0x166: {  	[bflag:$0x0] =	sbarrier.arrive $0xFFFF  }
0x167: {  	_ =	strace $0x90000047  }
0x168: {  	[bflag:$0x2] =	sbarrier.arrive $0xFFFF  }
0x169: {  	p0 =	sne.s32 s0, $0x0;
	s0 =	rddreg [dreg:$0x4]  }
0x16a: {  	s0 =	sadd.s32 @!p0 $0x100000, s0  }
0x16b: {  	[sflag:s0] =	ssyncadd.tile.s32 @!p0 $0x1;
	_ =	shalt  }
.Lfunc_end2:
_tile_overlayer_lowered:
.L_overlay_start_2:
0x16c: {  	(tag) =	ssettag $0x2  }
0x16d: {  	s0 =	rddreg [dreg:$0x0];
	s2 =	stileid.u32  }
0x16e: {  	s1 =	rddreg [dreg:$0x1];
	p0 =	sne.s32 s2, $0x0  }
0x16f: {  	s3 =	rddreg [dreg:$0x2];
	[bflag:$0x3] =	sbarrier.arrive $0xFFFF;
	s2 =	simm.s32 @!p0 $0x1C05  }
0x170: {  	[timem:s3], [sflag:s2] =	dma.local @!p0 [hbm:s0], s1  }
0x171: {  	s0 =	simm.s32 @!p0 $0x5  }
0x172: {  	_ =	swait.ge @!p0 [sflag:s0], s1  }
0x173: {  	s1 =	ssub.s32 @!p0 $0x0, s1;
	[sflag:s0] =	ssyncset.done @!p0 $0x0  }
0x174: {  	[sflag:s0] =	ssyncadd.s32 @!p0 s1  }
0x175: {  	[bflag:$0x3] =	sbarrier.arrive $0xFFFF  }
0x176: {  	_ =	shalt  }

</sc_bundles>
